<compile_context>
chip_gen: v7x
topology: tpu7x:2x2x1
jax: 0.10.2.dev20260603
libtpu: 0.0.44.dev20260713+nightly
codegen_flags: <defaults>
</compile_context>

<pallas_src>
import jax
import jax.numpy as jnp
from jax import lax
from jax.experimental import pallas as pl
from jax.experimental.pallas import tpu as pltpu
from jax.experimental.pallas import tpu_sc as plsc

_VOCAB = 1000000
_EMB = 64
_OUT = 128
_B = 4096
_L = 200

_NC = 2
_NS = 16
_NW = _NC * _NS
_CW = 100
_CHUNKS = _B * _L // _CW
_CH_PER_W = _CHUNKS // _NW
_ROWS_PER_W = _B // _NW
_NLANE = 16
_NV = _EMB // _NLANE


_NBUF = 8


def _sc_body(x_hbm, emb_hbm, out_hbm, idx_v, gbuf, obuf, *sems):
    c = lax.axis_index("c")
    s = lax.axis_index("s")
    w = s * _NC + c

    pltpu.sync_copy(x_hbm.at[pl.ds(w * _CH_PER_W, _CH_PER_W)], idx_v)

    for b in range(_NBUF):
        pltpu.async_copy(emb_hbm.at[idx_v.at[b]], gbuf.at[b], sems[b])

    zero = jnp.zeros((_NLANE,), jnp.float32)

    def reduce_buf(bi, accs):
        def rbody(r, accs):
            accs = list(accs)
            base = r * 5
            for u in range(5):
                row = base + u
                for v in range(_NV):
                    accs[v] = accs[v] + gbuf[bi, row, pl.ds(v * _NLANE, _NLANE)]
            return tuple(accs)
        return lax.fori_loop(0, _CW // 5, rbody, accs)

    @pl.loop(0, _ROWS_PER_W // (_NBUF // 2))
    def _(i):
        j0 = _NBUF * i
        for half in range(_NBUF // 2):
            a = (zero,) * _NV
            for q in range(2):
                b = 2 * half + q
                pltpu.make_async_copy(
                    emb_hbm.at[idx_v.at[0]], gbuf.at[b], sems[b]).wait()
                a = reduce_buf(b, a)

                @pl.when(j0 + b + _NBUF < _CH_PER_W)
                def _():
                    pltpu.async_copy(
                        emb_hbm.at[idx_v.at[j0 + b + _NBUF]], gbuf.at[b], sems[b])

            row = (_NBUF // 2) * i + half
            for v in range(_NV):
                obuf[row, pl.ds(v * _NLANE, _NLANE)] = a[v]

    pltpu.sync_copy(obuf, out_hbm.at[pl.ds(w * _ROWS_PER_W, _ROWS_PER_W)])


def _sc_pool(xr, emb):
    mesh = plsc.VectorSubcoreMesh(core_axis_name="c", subcore_axis_name="s")
    return pl.kernel(
        _sc_body,
        out_type=jax.ShapeDtypeStruct((_B, _EMB), jnp.float32),
        mesh=mesh,
        compiler_params=pltpu.CompilerParams(use_tc_tiling_on_sc=False),
        scratch_types=[
            pltpu.VMEM((_CH_PER_W, _CW), jnp.int32),
            pltpu.VMEM((_NBUF, _CW, _EMB), jnp.float32),
            pltpu.VMEM((_ROWS_PER_W, _EMB), jnp.float32),
        ] + [pltpu.SemaphoreType.DMA] * _NBUF + [
        ],
    )(xr, emb)


_TRB = 32768
_SH = (_TRB // 2).bit_length() - 1
_NBLK = (_VOCAB + _TRB - 1) // _TRB
_VROWS = _NBLK * _TRB


def _tr_body(t_ref, o_ref):
    x2 = jnp.concatenate(
        [t_ref[:, : _TRB // 2], t_ref[:, _TRB // 2 :]], axis=0)
    o_ref[...] = x2.T


def _tc_linearize(embT):
    return pl.pallas_call(
        _tr_body,
        grid=(_NBLK,),
        in_specs=[pl.BlockSpec((_EMB, _TRB), lambda i: (0, i))],
        out_specs=pl.BlockSpec((_TRB // 2, 2 * _EMB), lambda i: (i, 0)),
        out_shape=jax.ShapeDtypeStruct((_VROWS // 2, 2 * _EMB), jnp.float32),
    )(embT)


def _head_body(s_ref, wt_ref, b_ref, o_ref):
    p = s_ref[...] * (1.0 / _L)
    logits = jnp.dot(p, wt_ref[...], preferred_element_type=jnp.float32)
    logits = logits + b_ref[...]
    m = jnp.max(logits, axis=-1, keepdims=True)
    e = jnp.exp(logits - m)
    lse = jnp.log(jnp.sum(e, axis=-1, keepdims=True))
    o_ref[...] = logits - m - lse


def _head(sums, wt, b2):
    blk = 1024
    return pl.pallas_call(
        _head_body,
        grid=(_B // blk,),
        in_specs=[
            pl.BlockSpec((blk, _EMB), lambda i: (i, 0)),
            pl.BlockSpec((_EMB, _OUT), lambda i: (0, 0)),
            pl.BlockSpec((1, _OUT), lambda i: (0, 0)),
        ],
        out_specs=pl.BlockSpec((blk, _OUT), lambda i: (i, 0)),
        out_shape=jax.ShapeDtypeStruct((_B, _OUT), jnp.float32),
    )(sums, wt, b2)


@jax.jit
def kernel(x, emb, W, b):
    xf = (x & -_TRB) | ((x & (_TRB // 2 - 1)) << 1) | ((x >> _SH) & 1)
    xr = xf.reshape(_CHUNKS, _CW)
    emb_lin = _tc_linearize(emb.T).reshape(_VROWS, _EMB)
    sums = _sc_pool(xr, emb_lin)
    return _head(sums, W.T, b.reshape(1, _OUT))

# --- scband reference (transcript-rebuilt; emitter-appended) ---
"""Pipeline reference for scband-fast-text-47270410060079 (READ-ONLY COPY).

The authoritative reference and input builder live on the scoring server;
editing this copy changes nothing except your own understanding.
"""

import jax, jax.numpy as jnp
import numpy as np

VOCAB = 1000000
EMB = 64
OUT = 128
B = 4096
L = 200

def setup_inputs(seed: int = 0) -> dict:
    key = jax.random.key(seed)
    k1, k2, k3, k4 = jax.random.split(key, 4)
    x = jax.random.randint(k1, (B, L), 0, VOCAB, dtype=jnp.int64 if jax.config.jax_enable_x64 else jnp.int32).astype(jnp.int32)
    emb = jax.random.normal(k2, (VOCAB, EMB), dtype=jnp.float32) * 0.02
    W = jax.random.normal(k3, (OUT, EMB), dtype=jnp.float32) * (1.0 / np.sqrt(EMB))
    b = jax.random.normal(k4, (OUT,), dtype=jnp.float32) * 0.01
    return {"x": x, "emb": emb, "W": W, "b": b}

def reference(x, emb, W, b):
    # embedding gather: [B, L, EMB]
    embedded = jnp.take(emb, x, axis=0)
    # avg_pool2d over (L, 1) -> mean over sequence dim, squeeze -> [B, EMB]
    pooled = jnp.mean(embedded, axis=1)
    # dropout is identity in eval mode
    logits = pooled @ W.T + b
    return jax.nn.log_softmax(logits, axis=-1)

if __name__ == "__main__":
    import jax
    _d = setup_inputs()
    print(jax.jit(kernel)(*tuple(_d.values())))

</pallas_src>

<mosaic_0001>
#map = affine_map<(d0, d1) -> (0, 0)>
module attributes {stable_mosaic.version = 14 : i64} {
  func.func @_sc_body(%arg0: i32, %arg1: i32, %arg2: memref<8192x100xi32, #tpu.memory_space<hbm>>, %arg3: memref<1015808x64xf32, #tpu.memory_space<hbm>>, %arg4: memref<4096x64xf32, #tpu.memory_space<hbm>>, %arg5: memref<256x100xi32, #tpu.memory_space<vmem>>, %arg6: memref<8x100x64xf32, #tpu.memory_space<vmem>>, %arg7: memref<128x64xf32, #tpu.memory_space<vmem>>, %arg8: memref<!tpu.dma_semaphore, #tpu.memory_space<semaphore_mem>>, %arg9: memref<!tpu.dma_semaphore, #tpu.memory_space<semaphore_mem>>, %arg10: memref<!tpu.dma_semaphore, #tpu.memory_space<semaphore_mem>>, %arg11: memref<!tpu.dma_semaphore, #tpu.memory_space<semaphore_mem>>, %arg12: memref<!tpu.dma_semaphore, #tpu.memory_space<semaphore_mem>>, %arg13: memref<!tpu.dma_semaphore, #tpu.memory_space<semaphore_mem>>, %arg14: memref<!tpu.dma_semaphore, #tpu.memory_space<semaphore_mem>>, %arg15: memref<!tpu.dma_semaphore, #tpu.memory_space<semaphore_mem>>) attributes {dimension_semantics = [#tpu.dimension_semantics<core_parallel>, #tpu.dimension_semantics<subcore_parallel>], iteration_bounds = array<i64: 2, 16>, scalar_prefetch = 0 : i64, scratch_operands = 11 : i64, tpu.core_type = #tpu.core_type<sc_vector_subcore>, window_params = [{transform_indices = #map}, {transform_indices = #map}, {transform_indices = #map}]} {
    %mul3A = arith.constant 2 : i32
    %mul3A_0 = arith.muli %arg1, %mul3A : i32
    %add3A = arith.addi %mul3A_0, %arg0 : i32
    %mul3A_1 = arith.constant 256 : i32
    %mul3A_2 = arith.muli %add3A, %mul3A_1 : i32
    "tpu.region"() ({
      %run_scoped3A = tpu.sem_alloc : memref<!tpu.dma_semaphore, #tpu.memory_space<semaphore_mem>>
      %dma_start3A_105 = arith.constant 0 : i32
      %dma_start3A_106 = tpu.memref_slice %arg2[%mul3A_2, %dma_start3A_105] : memref<8192x100xi32, #tpu.memory_space<hbm>> -> memref<256x100xi32, #tpu.memory_space<hbm>>
      %dma_start3A_107 = arith.constant 0 : i32
      %dma_start3A_108 = tpu.memref_slice %arg2[%mul3A_2, %dma_start3A_107] : memref<8192x100xi32, #tpu.memory_space<hbm>> -> memref<256x100xi32, #tpu.memory_space<hbm>>
      tpu.enqueue_dma source(%dma_start3A_108 : memref<256x100xi32, #tpu.memory_space<hbm>>) target(%arg5 : memref<256x100xi32, #tpu.memory_space<vmem>>) target_semaphore(%run_scoped3A : memref<!tpu.dma_semaphore, #tpu.memory_space<semaphore_mem>>)
      %dma_wait3A = arith.constant 0 : i32
      %dma_wait3A_109 = tpu.memref_slice %arg2[%mul3A_2, %dma_wait3A] : memref<8192x100xi32, #tpu.memory_space<hbm>> -> memref<256x100xi32, #tpu.memory_space<hbm>>
      %dma_wait3A_110 = arith.constant 0 : i32
      %dma_wait3A_111 = tpu.memref_slice %arg2[%mul3A_2, %dma_wait3A_110] : memref<8192x100xi32, #tpu.memory_space<hbm>> -> memref<256x100xi32, #tpu.memory_space<hbm>>
      tpu.wait_dma2 semaphore(%run_scoped3A : memref<!tpu.dma_semaphore, #tpu.memory_space<semaphore_mem>>) src(%dma_wait3A_111 : memref<256x100xi32, #tpu.memory_space<hbm>>) dst(%arg5 : memref<256x100xi32, #tpu.memory_space<vmem>>)
      tpu.yield
    }) : () -> ()
    %dma_start3A = arith.constant 0 : i32
    %dma_start3A_3 = arith.constant 0 : i32
    %dma_start3A_4 = arith.constant 0 : i32
    %dma_start3A_5 = arith.constant 0 : i32
    %dma_start3A_6 = tpu.memref_slice %arg6[%dma_start3A_3, %dma_start3A_4, %dma_start3A_5] : memref<8x100x64xf32, #tpu.memory_space<vmem>> -> memref<1x100x64xf32, #tpu.memory_space<vmem>>
    %dma_start3A_7 = tpu.memref_squeeze %dma_start3A_6 : memref<1x100x64xf32, #tpu.memory_space<vmem>> -> memref<100x64xf32, #tpu.memory_space<vmem>>
    %dma_start3A_8 = arith.constant 0 : i32
    %dma_start3A_9 = tpu.memref_slice %arg5[%dma_start3A, %dma_start3A_8] : memref<256x100xi32, #tpu.memory_space<vmem>> -> memref<1x100xi32, #tpu.memory_space<vmem>>
    %dma_start3A_10 = tpu.memref_squeeze %dma_start3A_9 : memref<1x100xi32, #tpu.memory_space<vmem>> -> memref<100xi32, #tpu.memory_space<vmem>>
    %dma_start3A_11 = arith.constant 0 : i32
    %dma_start3A_12 = arith.constant 0 : i32
    %dma_start3A_13 = tpu.memref_slice %arg3[%dma_start3A_11, %dma_start3A_12] : memref<1015808x64xf32, #tpu.memory_space<hbm>> -> memref<1015808x64xf32, #tpu.memory_space<hbm>>
    tpu.enqueue_indirect_dma source(%dma_start3A_13 : memref<1015808x64xf32, #tpu.memory_space<hbm>>) target(%dma_start3A_7 : memref<100x64xf32, #tpu.memory_space<vmem>>) offsets(%dma_start3A_10 : memref<100xi32, #tpu.memory_space<vmem>>) semaphore(%arg8 : memref<!tpu.dma_semaphore, #tpu.memory_space<semaphore_mem>>)
    %dma_start3A_14 = arith.constant 1 : i32
    %dma_start3A_15 = arith.constant 1 : i32
    %dma_start3A_16 = arith.constant 0 : i32
    %dma_start3A_17 = arith.constant 0 : i32
    %dma_start3A_18 = tpu.memref_slice %arg6[%dma_start3A_15, %dma_start3A_16, %dma_start3A_17] : memref<8x100x64xf32, #tpu.memory_space<vmem>> -> memref<1x100x64xf32, #tpu.memory_space<vmem>>
    %dma_start3A_19 = tpu.memref_squeeze %dma_start3A_18 : memref<1x100x64xf32, #tpu.memory_space<vmem>> -> memref<100x64xf32, #tpu.memory_space<vmem>>
    %dma_start3A_20 = arith.constant 0 : i32
    %dma_start3A_21 = tpu.memref_slice %arg5[%dma_start3A_14, %dma_start3A_20] : memref<256x100xi32, #tpu.memory_space<vmem>> -> memref<1x100xi32, #tpu.memory_space<vmem>>
    %dma_start3A_22 = tpu.memref_squeeze %dma_start3A_21 : memref<1x100xi32, #tpu.memory_space<vmem>> -> memref<100xi32, #tpu.memory_space<vmem>>
    %dma_start3A_23 = arith.constant 0 : i32
    %dma_start3A_24 = arith.constant 0 : i32
    %dma_start3A_25 = tpu.memref_slice %arg3[%dma_start3A_23, %dma_start3A_24] : memref<1015808x64xf32, #tpu.memory_space<hbm>> -> memref<1015808x64xf32, #tpu.memory_space<hbm>>
    tpu.enqueue_indirect_dma source(%dma_start3A_25 : memref<1015808x64xf32, #tpu.memory_space<hbm>>) target(%dma_start3A_19 : memref<100x64xf32, #tpu.memory_space<vmem>>) offsets(%dma_start3A_22 : memref<100xi32, #tpu.memory_space<vmem>>) semaphore(%arg9 : memref<!tpu.dma_semaphore, #tpu.memory_space<semaphore_mem>>)
    %dma_start3A_26 = arith.constant 2 : i32
    %dma_start3A_27 = arith.constant 2 : i32
    %dma_start3A_28 = arith.constant 0 : i32
    %dma_start3A_29 = arith.constant 0 : i32
    %dma_start3A_30 = tpu.memref_slice %arg6[%dma_start3A_27, %dma_start3A_28, %dma_start3A_29] : memref<8x100x64xf32, #tpu.memory_space<vmem>> -> memref<1x100x64xf32, #tpu.memory_space<vmem>>
    %dma_start3A_31 = tpu.memref_squeeze %dma_start3A_30 : memref<1x100x64xf32, #tpu.memory_space<vmem>> -> memref<100x64xf32, #tpu.memory_space<vmem>>
    %dma_start3A_32 = arith.constant 0 : i32
    %dma_start3A_33 = tpu.memref_slice %arg5[%dma_start3A_26, %dma_start3A_32] : memref<256x100xi32, #tpu.memory_space<vmem>> -> memref<1x100xi32, #tpu.memory_space<vmem>>
    %dma_start3A_34 = tpu.memref_squeeze %dma_start3A_33 : memref<1x100xi32, #tpu.memory_space<vmem>> -> memref<100xi32, #tpu.memory_space<vmem>>
    %dma_start3A_35 = arith.constant 0 : i32
    %dma_start3A_36 = arith.constant 0 : i32
    %dma_start3A_37 = tpu.memref_slice %arg3[%dma_start3A_35, %dma_start3A_36] : memref<1015808x64xf32, #tpu.memory_space<hbm>> -> memref<1015808x64xf32, #tpu.memory_space<hbm>>
    tpu.enqueue_indirect_dma source(%dma_start3A_37 : memref<1015808x64xf32, #tpu.memory_space<hbm>>) target(%dma_start3A_31 : memref<100x64xf32, #tpu.memory_space<vmem>>) offsets(%dma_start3A_34 : memref<100xi32, #tpu.memory_space<vmem>>) semaphore(%arg10 : memref<!tpu.dma_semaphore, #tpu.memory_space<semaphore_mem>>)
    %dma_start3A_38 = arith.constant 3 : i32
    %dma_start3A_39 = arith.constant 3 : i32
    %dma_start3A_40 = arith.constant 0 : i32
    %dma_start3A_41 = arith.constant 0 : i32
    %dma_start3A_42 = tpu.memref_slice %arg6[%dma_start3A_39, %dma_start3A_40, %dma_start3A_41] : memref<8x100x64xf32, #tpu.memory_space<vmem>> -> memref<1x100x64xf32, #tpu.memory_space<vmem>>
    %dma_start3A_43 = tpu.memref_squeeze %dma_start3A_42 : memref<1x100x64xf32, #tpu.memory_space<vmem>> -> memref<100x64xf32, #tpu.memory_space<vmem>>
    %dma_start3A_44 = arith.constant 0 : i32
    %dma_start3A_45 = tpu.memref_slice %arg5[%dma_start3A_38, %dma_start3A_44] : memref<256x100xi32, #tpu.memory_space<vmem>> -> memref<1x100xi32, #tpu.memory_space<vmem>>
    %dma_start3A_46 = tpu.memref_squeeze %dma_start3A_45 : memref<1x100xi32, #tpu.memory_space<vmem>> -> memref<100xi32, #tpu.memory_space<vmem>>
    %dma_start3A_47 = arith.constant 0 : i32
    %dma_start3A_48 = arith.constant 0 : i32
    %dma_start3A_49 = tpu.memref_slice %arg3[%dma_start3A_47, %dma_start3A_48] : memref<1015808x64xf32, #tpu.memory_space<hbm>> -> memref<1015808x64xf32, #tpu.memory_space<hbm>>
    tpu.enqueue_indirect_dma source(%dma_start3A_49 : memref<1015808x64xf32, #tpu.memory_space<hbm>>) target(%dma_start3A_43 : memref<100x64xf32, #tpu.memory_space<vmem>>) offsets(%dma_start3A_46 : memref<100xi32, #tpu.memory_space<vmem>>) semaphore(%arg11 : memref<!tpu.dma_semaphore, #tpu.memory_space<semaphore_mem>>)
    %dma_start3A_50 = arith.constant 4 : i32
    %dma_start3A_51 = arith.constant 4 : i32
    %dma_start3A_52 = arith.constant 0 : i32
    %dma_start3A_53 = arith.constant 0 : i32
    %dma_start3A_54 = tpu.memref_slice %arg6[%dma_start3A_51, %dma_start3A_52, %dma_start3A_53] : memref<8x100x64xf32, #tpu.memory_space<vmem>> -> memref<1x100x64xf32, #tpu.memory_space<vmem>>
    %dma_start3A_55 = tpu.memref_squeeze %dma_start3A_54 : memref<1x100x64xf32, #tpu.memory_space<vmem>> -> memref<100x64xf32, #tpu.memory_space<vmem>>
    %dma_start3A_56 = arith.constant 0 : i32
    %dma_start3A_57 = tpu.memref_slice %arg5[%dma_start3A_50, %dma_start3A_56] : memref<256x100xi32, #tpu.memory_space<vmem>> -> memref<1x100xi32, #tpu.memory_space<vmem>>
    %dma_start3A_58 = tpu.memref_squeeze %dma_start3A_57 : memref<1x100xi32, #tpu.memory_space<vmem>> -> memref<100xi32, #tpu.memory_space<vmem>>
    %dma_start3A_59 = arith.constant 0 : i32
    %dma_start3A_60 = arith.constant 0 : i32
    %dma_start3A_61 = tpu.memref_slice %arg3[%dma_start3A_59, %dma_start3A_60] : memref<1015808x64xf32, #tpu.memory_space<hbm>> -> memref<1015808x64xf32, #tpu.memory_space<hbm>>
    tpu.enqueue_indirect_dma source(%dma_start3A_61 : memref<1015808x64xf32, #tpu.memory_space<hbm>>) target(%dma_start3A_55 : memref<100x64xf32, #tpu.memory_space<vmem>>) offsets(%dma_start3A_58 : memref<100xi32, #tpu.memory_space<vmem>>) semaphore(%arg12 : memref<!tpu.dma_semaphore, #tpu.memory_space<semaphore_mem>>)
    %dma_start3A_62 = arith.constant 5 : i32
    %dma_start3A_63 = arith.constant 5 : i32
    %dma_start3A_64 = arith.constant 0 : i32
    %dma_start3A_65 = arith.constant 0 : i32
    %dma_start3A_66 = tpu.memref_slice %arg6[%dma_start3A_63, %dma_start3A_64, %dma_start3A_65] : memref<8x100x64xf32, #tpu.memory_space<vmem>> -> memref<1x100x64xf32, #tpu.memory_space<vmem>>
    %dma_start3A_67 = tpu.memref_squeeze %dma_start3A_66 : memref<1x100x64xf32, #tpu.memory_space<vmem>> -> memref<100x64xf32, #tpu.memory_space<vmem>>
    %dma_start3A_68 = arith.constant 0 : i32
    %dma_start3A_69 = tpu.memref_slice %arg5[%dma_start3A_62, %dma_start3A_68] : memref<256x100xi32, #tpu.memory_space<vmem>> -> memref<1x100xi32, #tpu.memory_space<vmem>>
    %dma_start3A_70 = tpu.memref_squeeze %dma_start3A_69 : memref<1x100xi32, #tpu.memory_space<vmem>> -> memref<100xi32, #tpu.memory_space<vmem>>
    %dma_start3A_71 = arith.constant 0 : i32
    %dma_start3A_72 = arith.constant 0 : i32
    %dma_start3A_73 = tpu.memref_slice %arg3[%dma_start3A_71, %dma_start3A_72] : memref<1015808x64xf32, #tpu.memory_space<hbm>> -> memref<1015808x64xf32, #tpu.memory_space<hbm>>
    tpu.enqueue_indirect_dma source(%dma_start3A_73 : memref<1015808x64xf32, #tpu.memory_space<hbm>>) target(%dma_start3A_67 : memref<100x64xf32, #tpu.memory_space<vmem>>) offsets(%dma_start3A_70 : memref<100xi32, #tpu.memory_space<vmem>>) semaphore(%arg13 : memref<!tpu.dma_semaphore, #tpu.memory_space<semaphore_mem>>)
    %dma_start3A_74 = arith.constant 6 : i32
    %dma_start3A_75 = arith.constant 6 : i32
    %dma_start3A_76 = arith.constant 0 : i32
    %dma_start3A_77 = arith.constant 0 : i32
    %dma_start3A_78 = tpu.memref_slice %arg6[%dma_start3A_75, %dma_start3A_76, %dma_start3A_77] : memref<8x100x64xf32, #tpu.memory_space<vmem>> -> memref<1x100x64xf32, #tpu.memory_space<vmem>>
    %dma_start3A_79 = tpu.memref_squeeze %dma_start3A_78 : memref<1x100x64xf32, #tpu.memory_space<vmem>> -> memref<100x64xf32, #tpu.memory_space<vmem>>
    %dma_start3A_80 = arith.constant 0 : i32
    %dma_start3A_81 = tpu.memref_slice %arg5[%dma_start3A_74, %dma_start3A_80] : memref<256x100xi32, #tpu.memory_space<vmem>> -> memref<1x100xi32, #tpu.memory_space<vmem>>
    %dma_start3A_82 = tpu.memref_squeeze %dma_start3A_81 : memref<1x100xi32, #tpu.memory_space<vmem>> -> memref<100xi32, #tpu.memory_space<vmem>>
    %dma_start3A_83 = arith.constant 0 : i32
    %dma_start3A_84 = arith.constant 0 : i32
    %dma_start3A_85 = tpu.memref_slice %arg3[%dma_start3A_83, %dma_start3A_84] : memref<1015808x64xf32, #tpu.memory_space<hbm>> -> memref<1015808x64xf32, #tpu.memory_space<hbm>>
    tpu.enqueue_indirect_dma source(%dma_start3A_85 : memref<1015808x64xf32, #tpu.memory_space<hbm>>) target(%dma_start3A_79 : memref<100x64xf32, #tpu.memory_space<vmem>>) offsets(%dma_start3A_82 : memref<100xi32, #tpu.memory_space<vmem>>) semaphore(%arg14 : memref<!tpu.dma_semaphore, #tpu.memory_space<semaphore_mem>>)
    %dma_start3A_86 = arith.constant 7 : i32
    %dma_start3A_87 = arith.constant 7 : i32
    %dma_start3A_88 = arith.constant 0 : i32
    %dma_start3A_89 = arith.constant 0 : i32
    %dma_start3A_90 = tpu.memref_slice %arg6[%dma_start3A_87, %dma_start3A_88, %dma_start3A_89] : memref<8x100x64xf32, #tpu.memory_space<vmem>> -> memref<1x100x64xf32, #tpu.memory_space<vmem>>
    %dma_start3A_91 = tpu.memref_squeeze %dma_start3A_90 : memref<1x100x64xf32, #tpu.memory_space<vmem>> -> memref<100x64xf32, #tpu.memory_space<vmem>>
    %dma_start3A_92 = arith.constant 0 : i32
    %dma_start3A_93 = tpu.memref_slice %arg5[%dma_start3A_86, %dma_start3A_92] : memref<256x100xi32, #tpu.memory_space<vmem>> -> memref<1x100xi32, #tpu.memory_space<vmem>>
    %dma_start3A_94 = tpu.memref_squeeze %dma_start3A_93 : memref<1x100xi32, #tpu.memory_space<vmem>> -> memref<100xi32, #tpu.memory_space<vmem>>
    %dma_start3A_95 = arith.constant 0 : i32
    %dma_start3A_96 = arith.constant 0 : i32
    %dma_start3A_97 = tpu.memref_slice %arg3[%dma_start3A_95, %dma_start3A_96] : memref<1015808x64xf32, #tpu.memory_space<hbm>> -> memref<1015808x64xf32, #tpu.memory_space<hbm>>
    tpu.enqueue_indirect_dma source(%dma_start3A_97 : memref<1015808x64xf32, #tpu.memory_space<hbm>>) target(%dma_start3A_91 : memref<100x64xf32, #tpu.memory_space<vmem>>) offsets(%dma_start3A_94 : memref<100xi32, #tpu.memory_space<vmem>>) semaphore(%arg15 : memref<!tpu.dma_semaphore, #tpu.memory_space<semaphore_mem>>)
    %broadcast_in_dim3A = arith.constant 0.000000e+00 : f32
    %broadcast_in_dim3A_98 = vector.broadcast %broadcast_in_dim3A : f32 to vector<16xf32>
    %scan3A = arith.constant 0 : i32
    %scan3A_99 = arith.constant 32 : i32
    %scan3A_100 = arith.addi %scan3A, %scan3A_99 : i32
    %scan3A_101 = arith.constant 1 : i32
    scf.for %scan3A_105 = %scan3A to %scan3A_100 step %scan3A_101  : i32 {
      %mul3A_106 = arith.constant 1 : i32
      %mul3A_107 = arith.muli %scan3A_105, %mul3A_106 : i32
      %add3A_108 = arith.constant 0 : i32
      %add3A_109 = arith.addi %add3A_108, %mul3A_107 : i32
      %mul3A_110 = arith.constant 8 : i32
      %mul3A_111 = arith.muli %mul3A_110, %add3A_109 : i32
      %dma_wait3A = arith.constant 0 : i32
      %dma_wait3A_112 = arith.constant 0 : i32
      %dma_wait3A_113 = arith.constant 0 : i32
      %dma_wait3A_114 = arith.constant 0 : i32
      %dma_wait3A_115 = tpu.memref_slice %arg6[%dma_wait3A_112, %dma_wait3A_113, %dma_wait3A_114] : memref<8x100x64xf32, #tpu.memory_space<vmem>> -> memref<1x100x64xf32, #tpu.memory_space<vmem>>
      %dma_wait3A_116 = tpu.memref_squeeze %dma_wait3A_115 : memref<1x100x64xf32, #tpu.memory_space<vmem>> -> memref<100x64xf32, #tpu.memory_space<vmem>>
      %dma_wait3A_117 = arith.constant 0 : i32
      %dma_wait3A_118 = tpu.memref_slice %arg5[%dma_wait3A, %dma_wait3A_117] : memref<256x100xi32, #tpu.memory_space<vmem>> -> memref<1x100xi32, #tpu.memory_space<vmem>>
      %dma_wait3A_119 = tpu.memref_squeeze %dma_wait3A_118 : memref<1x100xi32, #tpu.memory_space<vmem>> -> memref<100xi32, #tpu.memory_space<vmem>>
      %dma_wait3A_120 = arith.constant 0 : i32
      %dma_wait3A_121 = arith.constant 0 : i32
      %dma_wait3A_122 = tpu.memref_slice %arg3[%dma_wait3A_120, %dma_wait3A_121] : memref<1015808x64xf32, #tpu.memory_space<hbm>> -> memref<1015808x64xf32, #tpu.memory_space<hbm>>
      tpu.wait_indirect_dma semaphore(%arg8 : memref<!tpu.dma_semaphore, #tpu.memory_space<semaphore_mem>>) src(%dma_wait3A_122 : memref<1015808x64xf32, #tpu.memory_space<hbm>>) dst(%dma_wait3A_116 : memref<100x64xf32, #tpu.memory_space<vmem>>)
      %scan3A_123 = arith.constant 0 : i32
      %scan3A_124 = arith.constant 20 : i32
      %scan3A_125 = arith.addi %scan3A_123, %scan3A_124 : i32
      %scan3A_126 = arith.constant 1 : i32
      %scan3A_127:4 = scf.for %scan3A_419 = %scan3A_123 to %scan3A_125 step %scan3A_126 iter_args(%scan3A_420 = %broadcast_in_dim3A_98, %scan3A_421 = %broadcast_in_dim3A_98, %scan3A_422 = %broadcast_in_dim3A_98, %scan3A_423 = %broadcast_in_dim3A_98) -> (vector<16xf32>, vector<16xf32>, vector<16xf32>, vector<16xf32>)  : i32 {
        %mul3A_424 = arith.constant 5 : i32
        %mul3A_425 = arith.muli %scan3A_419, %mul3A_424 : i32
        %add3A_426 = arith.constant 0 : i32
        %add3A_427 = arith.addi %mul3A_425, %add3A_426 : i32
        %get3A = arith.constant 0 : i32
        %get3A_428 = arith.index_cast %get3A : i32 to index
        %get3A_429 = arith.index_cast %add3A_427 : i32 to index
        %get3A_430 = arith.constant 0 : index
        %get3A_431 = tpu.vector_load %arg6[%get3A_428, %get3A_429, %get3A_430] {strides = array<i32>} : memref<8x100x64xf32, #tpu.memory_space<vmem>>, vector<1x1x16xf32>,
        %get3A_432 = vector.shape_cast %get3A_431 : vector<1x1x16xf32> to vector<16xf32>
        %add3A_433 = arith.addf %scan3A_420, %get3A_432 : vector<16xf32>
        %get3A_434 = arith.constant 0 : i32
        %get3A_435 = arith.index_cast %get3A_434 : i32 to index
        %get3A_436 = arith.index_cast %add3A_427 : i32 to index
        %get3A_437 = arith.constant 16 : index
        %get3A_438 = tpu.vector_load %arg6[%get3A_435, %get3A_436, %get3A_437] {strides = array<i32>} : memref<8x100x64xf32, #tpu.memory_space<vmem>>, vector<1x1x16xf32>,
        %get3A_439 = vector.shape_cast %get3A_438 : vector<1x1x16xf32> to vector<16xf32>
        %add3A_440 = arith.addf %scan3A_421, %get3A_439 : vector<16xf32>
        %get3A_441 = arith.constant 0 : i32
        %get3A_442 = arith.index_cast %get3A_441 : i32 to index
        %get3A_443 = arith.index_cast %add3A_427 : i32 to index
        %get3A_444 = arith.constant 32 : index
        %get3A_445 = tpu.vector_load %arg6[%get3A_442, %get3A_443, %get3A_444] {strides = array<i32>} : memref<8x100x64xf32, #tpu.memory_space<vmem>>, vector<1x1x16xf32>,
        %get3A_446 = vector.shape_cast %get3A_445 : vector<1x1x16xf32> to vector<16xf32>
        %add3A_447 = arith.addf %scan3A_422, %get3A_446 : vector<16xf32>
        %get3A_448 = arith.constant 0 : i32
        %get3A_449 = arith.index_cast %get3A_448 : i32 to index
        %get3A_450 = arith.index_cast %add3A_427 : i32 to index
        %get3A_451 = arith.constant 48 : index
        %get3A_452 = tpu.vector_load %arg6[%get3A_449, %get3A_450, %get3A_451] {strides = array<i32>} : memref<8x100x64xf32, #tpu.memory_space<vmem>>, vector<1x1x16xf32>,
        %get3A_453 = vector.shape_cast %get3A_452 : vector<1x1x16xf32> to vector<16xf32>
        %add3A_454 = arith.addf %scan3A_423, %get3A_453 : vector<16xf32>
        %add3A_455 = arith.constant 1 : i32
        %add3A_456 = arith.addi %mul3A_425, %add3A_455 : i32
        %get3A_457 = arith.constant 0 : i32
        %get3A_458 = arith.index_cast %get3A_457 : i32 to index
        %get3A_459 = arith.index_cast %add3A_456 : i32 to index
        %get3A_460 = arith.constant 0 : index
        %get3A_461 = tpu.vector_load %arg6[%get3A_458, %get3A_459, %get3A_460] {strides = array<i32>} : memref<8x100x64xf32, #tpu.memory_space<vmem>>, vector<1x1x16xf32>,
        %get3A_462 = vector.shape_cast %get3A_461 : vector<1x1x16xf32> to vector<16xf32>
        %add3A_463 = arith.addf %add3A_433, %get3A_462 : vector<16xf32>
        %get3A_464 = arith.constant 0 : i32
        %get3A_465 = arith.index_cast %get3A_464 : i32 to index
        %get3A_466 = arith.index_cast %add3A_456 : i32 to index
        %get3A_467 = arith.constant 16 : index
        %get3A_468 = tpu.vector_load %arg6[%get3A_465, %get3A_466, %get3A_467] {strides = array<i32>} : memref<8x100x64xf32, #tpu.memory_space<vmem>>, vector<1x1x16xf32>,
        %get3A_469 = vector.shape_cast %get3A_468 : vector<1x1x16xf32> to vector<16xf32>
        %add3A_470 = arith.addf %add3A_440, %get3A_469 : vector<16xf32>
        %get3A_471 = arith.constant 0 : i32
        %get3A_472 = arith.index_cast %get3A_471 : i32 to index
        %get3A_473 = arith.index_cast %add3A_456 : i32 to index
        %get3A_474 = arith.constant 32 : index
        %get3A_475 = tpu.vector_load %arg6[%get3A_472, %get3A_473, %get3A_474] {strides = array<i32>} : memref<8x100x64xf32, #tpu.memory_space<vmem>>, vector<1x1x16xf32>,
        %get3A_476 = vector.shape_cast %get3A_475 : vector<1x1x16xf32> to vector<16xf32>
        %add3A_477 = arith.addf %add3A_447, %get3A_476 : vector<16xf32>
        %get3A_478 = arith.constant 0 : i32
        %get3A_479 = arith.index_cast %get3A_478 : i32 to index
        %get3A_480 = arith.index_cast %add3A_456 : i32 to index
        %get3A_481 = arith.constant 48 : index
        %get3A_482 = tpu.vector_load %arg6[%get3A_479, %get3A_480, %get3A_481] {strides = array<i32>} : memref<8x100x64xf32, #tpu.memory_space<vmem>>, vector<1x1x16xf32>,
        %get3A_483 = vector.shape_cast %get3A_482 : vector<1x1x16xf32> to vector<16xf32>
        %add3A_484 = arith.addf %add3A_454, %get3A_483 : vector<16xf32>
        %add3A_485 = arith.constant 2 : i32
        %add3A_486 = arith.addi %mul3A_425, %add3A_485 : i32
        %get3A_487 = arith.constant 0 : i32
        %get3A_488 = arith.index_cast %get3A_487 : i32 to index
        %get3A_489 = arith.index_cast %add3A_486 : i32 to index
        %get3A_490 = arith.constant 0 : index
        %get3A_491 = tpu.vector_load %arg6[%get3A_488, %get3A_489, %get3A_490] {strides = array<i32>} : memref<8x100x64xf32, #tpu.memory_space<vmem>>, vector<1x1x16xf32>,
        %get3A_492 = vector.shape_cast %get3A_491 : vector<1x1x16xf32> to vector<16xf32>
        %add3A_493 = arith.addf %add3A_463, %get3A_492 : vector<16xf32>
        %get3A_494 = arith.constant 0 : i32
        %get3A_495 = arith.index_cast %get3A_494 : i32 to index
        %get3A_496 = arith.index_cast %add3A_486 : i32 to index
        %get3A_497 = arith.constant 16 : index
        %get3A_498 = tpu.vector_load %arg6[%get3A_495, %get3A_496, %get3A_497] {strides = array<i32>} : memref<8x100x64xf32, #tpu.memory_space<vmem>>, vector<1x1x16xf32>,
        %get3A_499 = vector.shape_cast %get3A_498 : vector<1x1x16xf32> to vector<16xf32>
        %add3A_500 = arith.addf %add3A_470, %get3A_499 : vector<16xf32>
        %get3A_501 = arith.constant 0 : i32
        %get3A_502 = arith.index_cast %get3A_501 : i32 to index
        %get3A_503 = arith.index_cast %add3A_486 : i32 to index
        %get3A_504 = arith.constant 32 : index
        %get3A_505 = tpu.vector_load %arg6[%get3A_502, %get3A_503, %get3A_504] {strides = array<i32>} : memref<8x100x64xf32, #tpu.memory_space<vmem>>, vector<1x1x16xf32>,
        %get3A_506 = vector.shape_cast %get3A_505 : vector<1x1x16xf32> to vector<16xf32>
        %add3A_507 = arith.addf %add3A_477, %get3A_506 : vector<16xf32>
        %get3A_508 = arith.constant 0 : i32
        %get3A_509 = arith.index_cast %get3A_508 : i32 to index
        %get3A_510 = arith.index_cast %add3A_486 : i32 to index
        %get3A_511 = arith.constant 48 : index
        %get3A_512 = tpu.vector_load %arg6[%get3A_509, %get3A_510, %get3A_511] {strides = array<i32>} : memref<8x100x64xf32, #tpu.memory_space<vmem>>, vector<1x1x16xf32>,
        %get3A_513 = vector.shape_cast %get3A_512 : vector<1x1x16xf32> to vector<16xf32>
        %add3A_514 = arith.addf %add3A_484, %get3A_513 : vector<16xf32>
        %add3A_515 = arith.constant 3 : i32
        %add3A_516 = arith.addi %mul3A_425, %add3A_515 : i32
        %get3A_517 = arith.constant 0 : i32
        %get3A_518 = arith.index_cast %get3A_517 : i32 to index
        %get3A_519 = arith.index_cast %add3A_516 : i32 to index
        %get3A_520 = arith.constant 0 : index
        %get3A_521 = tpu.vector_load %arg6[%get3A_518, %get3A_519, %get3A_520] {strides = array<i32>} : memref<8x100x64xf32, #tpu.memory_space<vmem>>, vector<1x1x16xf32>,
        %get3A_522 = vector.shape_cast %get3A_521 : vector<1x1x16xf32> to vector<16xf32>
        %add3A_523 = arith.addf %add3A_493, %get3A_522 : vector<16xf32>
        %get3A_524 = arith.constant 0 : i32
        %get3A_525 = arith.index_cast %get3A_524 : i32 to index
        %get3A_526 = arith.index_cast %add3A_516 : i32 to index
        %get3A_527 = arith.constant 16 : index
        %get3A_528 = tpu.vector_load %arg6[%get3A_525, %get3A_526, %get3A_527] {strides = array<i32>} : memref<8x100x64xf32, #tpu.memory_space<vmem>>, vector<1x1x16xf32>,
        %get3A_529 = vector.shape_cast %get3A_528 : vector<1x1x16xf32> to vector<16xf32>
        %add3A_530 = arith.addf %add3A_500, %get3A_529 : vector<16xf32>
        %get3A_531 = arith.constant 0 : i32
        %get3A_532 = arith.index_cast %get3A_531 : i32 to index
        %get3A_533 = arith.index_cast %add3A_516 : i32 to index
        %get3A_534 = arith.constant 32 : index
        %get3A_535 = tpu.vector_load %arg6[%get3A_532, %get3A_533, %get3A_534] {strides = array<i32>} : memref<8x100x64xf32, #tpu.memory_space<vmem>>, vector<1x1x16xf32>,
        %get3A_536 = vector.shape_cast %get3A_535 : vector<1x1x16xf32> to vector<16xf32>
        %add3A_537 = arith.addf %add3A_507, %get3A_536 : vector<16xf32>
        %get3A_538 = arith.constant 0 : i32
        %get3A_539 = arith.index_cast %get3A_538 : i32 to index
        %get3A_540 = arith.index_cast %add3A_516 : i32 to index
        %get3A_541 = arith.constant 48 : index
        %get3A_542 = tpu.vector_load %arg6[%get3A_539, %get3A_540, %get3A_541] {strides = array<i32>} : memref<8x100x64xf32, #tpu.memory_space<vmem>>, vector<1x1x16xf32>,
        %get3A_543 = vector.shape_cast %get3A_542 : vector<1x1x16xf32> to vector<16xf32>
        %add3A_544 = arith.addf %add3A_514, %get3A_543 : vector<16xf32>
        %add3A_545 = arith.constant 4 : i32
        %add3A_546 = arith.addi %mul3A_425, %add3A_545 : i32
        %get3A_547 = arith.constant 0 : i32
        %get3A_548 = arith.index_cast %get3A_547 : i32 to index
        %get3A_549 = arith.index_cast %add3A_546 : i32 to index
        %get3A_550 = arith.constant 0 : index
        %get3A_551 = tpu.vector_load %arg6[%get3A_548, %get3A_549, %get3A_550] {strides = array<i32>} : memref<8x100x64xf32, #tpu.memory_space<vmem>>, vector<1x1x16xf32>,
        %get3A_552 = vector.shape_cast %get3A_551 : vector<1x1x16xf32> to vector<16xf32>
        %add3A_553 = arith.addf %add3A_523, %get3A_552 : vector<16xf32>
        %get3A_554 = arith.constant 0 : i32
        %get3A_555 = arith.index_cast %get3A_554 : i32 to index
        %get3A_556 = arith.index_cast %add3A_546 : i32 to index
        %get3A_557 = arith.constant 16 : index
        %get3A_558 = tpu.vector_load %arg6[%get3A_555, %get3A_556, %get3A_557] {strides = array<i32>} : memref<8x100x64xf32, #tpu.memory_space<vmem>>, vector<1x1x16xf32>,
        %get3A_559 = vector.shape_cast %get3A_558 : vector<1x1x16xf32> to vector<16xf32>
        %add3A_560 = arith.addf %add3A_530, %get3A_559 : vector<16xf32>
        %get3A_561 = arith.constant 0 : i32
        %get3A_562 = arith.index_cast %get3A_561 : i32 to index
        %get3A_563 = arith.index_cast %add3A_546 : i32 to index
        %get3A_564 = arith.constant 32 : index
        %get3A_565 = tpu.vector_load %arg6[%get3A_562, %get3A_563, %get3A_564] {strides = array<i32>} : memref<8x100x64xf32, #tpu.memory_space<vmem>>, vector<1x1x16xf32>,
        %get3A_566 = vector.shape_cast %get3A_565 : vector<1x1x16xf32> to vector<16xf32>
        %add3A_567 = arith.addf %add3A_537, %get3A_566 : vector<16xf32>
        %get3A_568 = arith.constant 0 : i32
        %get3A_569 = arith.index_cast %get3A_568 : i32 to index
        %get3A_570 = arith.index_cast %add3A_546 : i32 to index
        %get3A_571 = arith.constant 48 : index
        %get3A_572 = tpu.vector_load %arg6[%get3A_569, %get3A_570, %get3A_571] {strides = array<i32>} : memref<8x100x64xf32, #tpu.memory_space<vmem>>, vector<1x1x16xf32>,
        %get3A_573 = vector.shape_cast %get3A_572 : vector<1x1x16xf32> to vector<16xf32>
        %add3A_574 = arith.addf %add3A_544, %get3A_573 : vector<16xf32>
        scf.yield %add3A_553, %add3A_560, %add3A_567, %add3A_574 : vector<16xf32>, vector<16xf32>, vector<16xf32>, vector<16xf32>
      }
      %scan3A_128 = arith.constant 20 : i32
      %add3A_129 = arith.constant 0 : i32
      %add3A_130 = arith.addi %mul3A_111, %add3A_129 : i32
      %add3A_131 = arith.constant 8 : i32
      %add3A_132 = arith.addi %add3A_130, %add3A_131 : i32
      %lt3A = arith.constant 256 : i32
      %lt3A_133 = arith.cmpi slt, %add3A_132, %lt3A : i32
      %convert_element_type3A = arith.extui %lt3A_133 : i1 to i32
      %cond3A = arith.constant 0 : i32
      %cond3A_134 = arith.cmpi ne, %convert_element_type3A, %cond3A : i32
      scf.if %cond3A_134 {
        %add3A_419 = arith.constant 0 : i32
        %add3A_420 = arith.addi %mul3A_111, %add3A_419 : i32
        %add3A_421 = arith.constant 8 : i32
        %add3A_422 = arith.addi %add3A_420, %add3A_421 : i32
        %dma_start3A_423 = arith.constant 0 : i32
        %dma_start3A_424 = arith.constant 0 : i32
        %dma_start3A_425 = arith.constant 0 : i32
        %dma_start3A_426 = tpu.memref_slice %arg6[%dma_start3A_423, %dma_start3A_424, %dma_start3A_425] : memref<8x100x64xf32, #tpu.memory_space<vmem>> -> memref<1x100x64xf32, #tpu.memory_space<vmem>>
        %dma_start3A_427 = tpu.memref_squeeze %dma_start3A_426 : memref<1x100x64xf32, #tpu.memory_space<vmem>> -> memref<100x64xf32, #tpu.memory_space<vmem>>
        %dma_start3A_428 = arith.constant 0 : i32
        %dma_start3A_429 = tpu.memref_slice %arg5[%add3A_422, %dma_start3A_428] : memref<256x100xi32, #tpu.memory_space<vmem>> -> memref<1x100xi32, #tpu.memory_space<vmem>>
        %dma_start3A_430 = tpu.memref_squeeze %dma_start3A_429 : memref<1x100xi32, #tpu.memory_space<vmem>> -> memref<100xi32, #tpu.memory_space<vmem>>
        %dma_start3A_431 = arith.constant 0 : i32
        %dma_start3A_432 = arith.constant 0 : i32
        %dma_start3A_433 = tpu.memref_slice %arg3[%dma_start3A_431, %dma_start3A_432] : memref<1015808x64xf32, #tpu.memory_space<hbm>> -> memref<1015808x64xf32, #tpu.memory_space<hbm>>
        tpu.enqueue_indirect_dma source(%dma_start3A_433 : memref<1015808x64xf32, #tpu.memory_space<hbm>>) target(%dma_start3A_427 : memref<100x64xf32, #tpu.memory_space<vmem>>) offsets(%dma_start3A_430 : memref<100xi32, #tpu.memory_space<vmem>>) semaphore(%arg8 : memref<!tpu.dma_semaphore, #tpu.memory_space<semaphore_mem>>)
      } else {
      }
      %dma_wait3A_135 = arith.constant 0 : i32
      %dma_wait3A_136 = arith.constant 1 : i32
      %dma_wait3A_137 = arith.constant 0 : i32
      %dma_wait3A_138 = arith.constant 0 : i32
      %dma_wait3A_139 = tpu.memref_slice %arg6[%dma_wait3A_136, %dma_wait3A_137, %dma_wait3A_138] : memref<8x100x64xf32, #tpu.memory_space<vmem>> -> memref<1x100x64xf32, #tpu.memory_space<vmem>>
      %dma_wait3A_140 = tpu.memref_squeeze %dma_wait3A_139 : memref<1x100x64xf32, #tpu.memory_space<vmem>> -> memref<100x64xf32, #tpu.memory_space<vmem>>
      %dma_wait3A_141 = arith.constant 0 : i32
      %dma_wait3A_142 = tpu.memref_slice %arg5[%dma_wait3A_135, %dma_wait3A_141] : memref<256x100xi32, #tpu.memory_space<vmem>> -> memref<1x100xi32, #tpu.memory_space<vmem>>
      %dma_wait3A_143 = tpu.memref_squeeze %dma_wait3A_142 : memref<1x100xi32, #tpu.memory_space<vmem>> -> memref<100xi32, #tpu.memory_space<vmem>>
      %dma_wait3A_144 = arith.constant 0 : i32
      %dma_wait3A_145 = arith.constant 0 : i32
      %dma_wait3A_146 = tpu.memref_slice %arg3[%dma_wait3A_144, %dma_wait3A_145] : memref<1015808x64xf32, #tpu.memory_space<hbm>> -> memref<1015808x64xf32, #tpu.memory_space<hbm>>
      tpu.wait_indirect_dma semaphore(%arg9 : memref<!tpu.dma_semaphore, #tpu.memory_space<semaphore_mem>>) src(%dma_wait3A_146 : memref<1015808x64xf32, #tpu.memory_space<hbm>>) dst(%dma_wait3A_140 : memref<100x64xf32, #tpu.memory_space<vmem>>)
      %scan3A_147 = arith.constant 0 : i32
      %scan3A_148 = arith.constant 20 : i32
      %scan3A_149 = arith.addi %scan3A_147, %scan3A_148 : i32
      %scan3A_150 = arith.constant 1 : i32
      %scan3A_151:4 = scf.for %scan3A_419 = %scan3A_147 to %scan3A_149 step %scan3A_150 iter_args(%scan3A_420 = %scan3A_127#0, %scan3A_421 = %scan3A_127#1, %scan3A_422 = %scan3A_127#2, %scan3A_423 = %scan3A_127#3) -> (vector<16xf32>, vector<16xf32>, vector<16xf32>, vector<16xf32>)  : i32 {
        %mul3A_424 = arith.constant 5 : i32
        %mul3A_425 = arith.muli %scan3A_419, %mul3A_424 : i32
        %add3A_426 = arith.constant 0 : i32
        %add3A_427 = arith.addi %mul3A_425, %add3A_426 : i32
        %get3A = arith.constant 1 : i32
        %get3A_428 = arith.index_cast %get3A : i32 to index
        %get3A_429 = arith.index_cast %add3A_427 : i32 to index
        %get3A_430 = arith.constant 0 : index
        %get3A_431 = tpu.vector_load %arg6[%get3A_428, %get3A_429, %get3A_430] {strides = array<i32>} : memref<8x100x64xf32, #tpu.memory_space<vmem>>, vector<1x1x16xf32>,
        %get3A_432 = vector.shape_cast %get3A_431 : vector<1x1x16xf32> to vector<16xf32>
        %add3A_433 = arith.addf %scan3A_420, %get3A_432 : vector<16xf32>
        %get3A_434 = arith.constant 1 : i32
        %get3A_435 = arith.index_cast %get3A_434 : i32 to index
        %get3A_436 = arith.index_cast %add3A_427 : i32 to index
        %get3A_437 = arith.constant 16 : index
        %get3A_438 = tpu.vector_load %arg6[%get3A_435, %get3A_436, %get3A_437] {strides = array<i32>} : memref<8x100x64xf32, #tpu.memory_space<vmem>>, vector<1x1x16xf32>,
        %get3A_439 = vector.shape_cast %get3A_438 : vector<1x1x16xf32> to vector<16xf32>
        %add3A_440 = arith.addf %scan3A_421, %get3A_439 : vector<16xf32>
        %get3A_441 = arith.constant 1 : i32
        %get3A_442 = arith.index_cast %get3A_441 : i32 to index
        %get3A_443 = arith.index_cast %add3A_427 : i32 to index
        %get3A_444 = arith.constant 32 : index
        %get3A_445 = tpu.vector_load %arg6[%get3A_442, %get3A_443, %get3A_444] {strides = array<i32>} : memref<8x100x64xf32, #tpu.memory_space<vmem>>, vector<1x1x16xf32>,
        %get3A_446 = vector.shape_cast %get3A_445 : vector<1x1x16xf32> to vector<16xf32>
        %add3A_447 = arith.addf %scan3A_422, %get3A_446 : vector<16xf32>
        %get3A_448 = arith.constant 1 : i32
        %get3A_449 = arith.index_cast %get3A_448 : i32 to index
        %get3A_450 = arith.index_cast %add3A_427 : i32 to index
        %get3A_451 = arith.constant 48 : index
        %get3A_452 = tpu.vector_load %arg6[%get3A_449, %get3A_450, %get3A_451] {strides = array<i32>} : memref<8x100x64xf32, #tpu.memory_space<vmem>>, vector<1x1x16xf32>,
        %get3A_453 = vector.shape_cast %get3A_452 : vector<1x1x16xf32> to vector<16xf32>
        %add3A_454 = arith.addf %scan3A_423, %get3A_453 : vector<16xf32>
        %add3A_455 = arith.constant 1 : i32
        %add3A_456 = arith.addi %mul3A_425, %add3A_455 : i32
        %get3A_457 = arith.constant 1 : i32
        %get3A_458 = arith.index_cast %get3A_457 : i32 to index
        %get3A_459 = arith.index_cast %add3A_456 : i32 to index
        %get3A_460 = arith.constant 0 : index
        %get3A_461 = tpu.vector_load %arg6[%get3A_458, %get3A_459, %get3A_460] {strides = array<i32>} : memref<8x100x64xf32, #tpu.memory_space<vmem>>, vector<1x1x16xf32>,
        %get3A_462 = vector.shape_cast %get3A_461 : vector<1x1x16xf32> to vector<16xf32>
        %add3A_463 = arith.addf %add3A_433, %get3A_462 : vector<16xf32>
        %get3A_464 = arith.constant 1 : i32
        %get3A_465 = arith.index_cast %get3A_464 : i32 to index
        %get3A_466 = arith.index_cast %add3A_456 : i32 to index
        %get3A_467 = arith.constant 16 : index
        %get3A_468 = tpu.vector_load %arg6[%get3A_465, %get3A_466, %get3A_467] {strides = array<i32>} : memref<8x100x64xf32, #tpu.memory_space<vmem>>, vector<1x1x16xf32>,
        %get3A_469 = vector.shape_cast %get3A_468 : vector<1x1x16xf32> to vector<16xf32>
        %add3A_470 = arith.addf %add3A_440, %get3A_469 : vector<16xf32>
        %get3A_471 = arith.constant 1 : i32
        %get3A_472 = arith.index_cast %get3A_471 : i32 to index
        %get3A_473 = arith.index_cast %add3A_456 : i32 to index
        %get3A_474 = arith.constant 32 : index
        %get3A_475 = tpu.vector_load %arg6[%get3A_472, %get3A_473, %get3A_474] {strides = array<i32>} : memref<8x100x64xf32, #tpu.memory_space<vmem>>, vector<1x1x16xf32>,
        %get3A_476 = vector.shape_cast %get3A_475 : vector<1x1x16xf32> to vector<16xf32>
        %add3A_477 = arith.addf %add3A_447, %get3A_476 : vector<16xf32>
        %get3A_478 = arith.constant 1 : i32
        %get3A_479 = arith.index_cast %get3A_478 : i32 to index
        %get3A_480 = arith.index_cast %add3A_456 : i32 to index
        %get3A_481 = arith.constant 48 : index
        %get3A_482 = tpu.vector_load %arg6[%get3A_479, %get3A_480, %get3A_481] {strides = array<i32>} : memref<8x100x64xf32, #tpu.memory_space<vmem>>, vector<1x1x16xf32>,
        %get3A_483 = vector.shape_cast %get3A_482 : vector<1x1x16xf32> to vector<16xf32>
        %add3A_484 = arith.addf %add3A_454, %get3A_483 : vector<16xf32>
        %add3A_485 = arith.constant 2 : i32
        %add3A_486 = arith.addi %mul3A_425, %add3A_485 : i32
        %get3A_487 = arith.constant 1 : i32
        %get3A_488 = arith.index_cast %get3A_487 : i32 to index
        %get3A_489 = arith.index_cast %add3A_486 : i32 to index
        %get3A_490 = arith.constant 0 : index
        %get3A_491 = tpu.vector_load %arg6[%get3A_488, %get3A_489, %get3A_490] {strides = array<i32>} : memref<8x100x64xf32, #tpu.memory_space<vmem>>, vector<1x1x16xf32>,
        %get3A_492 = vector.shape_cast %get3A_491 : vector<1x1x16xf32> to vector<16xf32>
        %add3A_493 = arith.addf %add3A_463, %get3A_492 : vector<16xf32>
        %get3A_494 = arith.constant 1 : i32
        %get3A_495 = arith.index_cast %get3A_494 : i32 to index
        %get3A_496 = arith.index_cast %add3A_486 : i32 to index
        %get3A_497 = arith.constant 16 : index
        %get3A_498 = tpu.vector_load %arg6[%get3A_495, %get3A_496, %get3A_497] {strides = array<i32>} : memref<8x100x64xf32, #tpu.memory_space<vmem>>, vector<1x1x16xf32>,
        %get3A_499 = vector.shape_cast %get3A_498 : vector<1x1x16xf32> to vector<16xf32>
        %add3A_500 = arith.addf %add3A_470, %get3A_499 : vector<16xf32>
        %get3A_501 = arith.constant 1 : i32
        %get3A_502 = arith.index_cast %get3A_501 : i32 to index
        %get3A_503 = arith.index_cast %add3A_486 : i32 to index
        %get3A_504 = arith.constant 32 : index
        %get3A_505 = tpu.vector_load %arg6[%get3A_502, %get3A_503, %get3A_504] {strides = array<i32>} : memref<8x100x64xf32, #tpu.memory_space<vmem>>, vector<1x1x16xf32>,
        %get3A_506 = vector.shape_cast %get3A_505 : vector<1x1x16xf32> to vector<16xf32>
        %add3A_507 = arith.addf %add3A_477, %get3A_506 : vector<16xf32>
        %get3A_508 = arith.constant 1 : i32
        %get3A_509 = arith.index_cast %get3A_508 : i32 to index
        %get3A_510 = arith.index_cast %add3A_486 : i32 to index
        %get3A_511 = arith.constant 48 : index
        %get3A_512 = tpu.vector_load %arg6[%get3A_509, %get3A_510, %get3A_511] {strides = array<i32>} : memref<8x100x64xf32, #tpu.memory_space<vmem>>, vector<1x1x16xf32>,
        %get3A_513 = vector.shape_cast %get3A_512 : vector<1x1x16xf32> to vector<16xf32>
        %add3A_514 = arith.addf %add3A_484, %get3A_513 : vector<16xf32>
        %add3A_515 = arith.constant 3 : i32
        %add3A_516 = arith.addi %mul3A_425, %add3A_515 : i32
        %get3A_517 = arith.constant 1 : i32
        %get3A_518 = arith.index_cast %get3A_517 : i32 to index
        %get3A_519 = arith.index_cast %add3A_516 : i32 to index
        %get3A_520 = arith.constant 0 : index
        %get3A_521 = tpu.vector_load %arg6[%get3A_518, %get3A_519, %get3A_520] {strides = array<i32>} : memref<8x100x64xf32, #tpu.memory_space<vmem>>, vector<1x1x16xf32>,
        %get3A_522 = vector.shape_cast %get3A_521 : vector<1x1x16xf32> to vector<16xf32>
        %add3A_523 = arith.addf %add3A_493, %get3A_522 : vector<16xf32>
        %get3A_524 = arith.constant 1 : i32
        %get3A_525 = arith.index_cast %get3A_524 : i32 to index
        %get3A_526 = arith.index_cast %add3A_516 : i32 to index
        %get3A_527 = arith.constant 16 : index
        %get3A_528 = tpu.vector_load %arg6[%get3A_525, %get3A_526, %get3A_527] {strides = array<i32>} : memref<8x100x64xf32, #tpu.memory_space<vmem>>, vector<1x1x16xf32>,
        %get3A_529 = vector.shape_cast %get3A_528 : vector<1x1x16xf32> to vector<16xf32>
        %add3A_530 = arith.addf %add3A_500, %get3A_529 : vector<16xf32>
        %get3A_531 = arith.constant 1 : i32
        %get3A_532 = arith.index_cast %get3A_531 : i32 to index
        %get3A_533 = arith.index_cast %add3A_516 : i32 to index
        %get3A_534 = arith.constant 32 : index
        %get3A_535 = tpu.vector_load %arg6[%get3A_532, %get3A_533, %get3A_534] {strides = array<i32>} : memref<8x100x64xf32, #tpu.memory_space<vmem>>, vector<1x1x16xf32>,
        %get3A_536 = vector.shape_cast %get3A_535 : vector<1x1x16xf32> to vector<16xf32>
        %add3A_537 = arith.addf %add3A_507, %get3A_536 : vector<16xf32>
        %get3A_538 = arith.constant 1 : i32
        %get3A_539 = arith.index_cast %get3A_538 : i32 to index
        %get3A_540 = arith.index_cast %add3A_516 : i32 to index
        %get3A_541 = arith.constant 48 : index
        %get3A_542 = tpu.vector_load %arg6[%get3A_539, %get3A_540, %get3A_541] {strides = array<i32>} : memref<8x100x64xf32, #tpu.memory_space<vmem>>, vector<1x1x16xf32>,
        %get3A_543 = vector.shape_cast %get3A_542 : vector<1x1x16xf32> to vector<16xf32>
        %add3A_544 = arith.addf %add3A_514, %get3A_543 : vector<16xf32>
        %add3A_545 = arith.constant 4 : i32
        %add3A_546 = arith.addi %mul3A_425, %add3A_545 : i32
        %get3A_547 = arith.constant 1 : i32
        %get3A_548 = arith.index_cast %get3A_547 : i32 to index
        %get3A_549 = arith.index_cast %add3A_546 : i32 to index
        %get3A_550 = arith.constant 0 : index
        %get3A_551 = tpu.vector_load %arg6[%get3A_548, %get3A_549, %get3A_550] {strides = array<i32>} : memref<8x100x64xf32, #tpu.memory_space<vmem>>, vector<1x1x16xf32>,
        %get3A_552 = vector.shape_cast %get3A_551 : vector<1x1x16xf32> to vector<16xf32>
        %add3A_553 = arith.addf %add3A_523, %get3A_552 : vector<16xf32>
        %get3A_554 = arith.constant 1 : i32
        %get3A_555 = arith.index_cast %get3A_554 : i32 to index
        %get3A_556 = arith.index_cast %add3A_546 : i32 to index
        %get3A_557 = arith.constant 16 : index
        %get3A_558 = tpu.vector_load %arg6[%get3A_555, %get3A_556, %get3A_557] {strides = array<i32>} : memref<8x100x64xf32, #tpu.memory_space<vmem>>, vector<1x1x16xf32>,
        %get3A_559 = vector.shape_cast %get3A_558 : vector<1x1x16xf32> to vector<16xf32>
        %add3A_560 = arith.addf %add3A_530, %get3A_559 : vector<16xf32>
        %get3A_561 = arith.constant 1 : i32
        %get3A_562 = arith.index_cast %get3A_561 : i32 to index
        %get3A_563 = arith.index_cast %add3A_546 : i32 to index
        %get3A_564 = arith.constant 32 : index
        %get3A_565 = tpu.vector_load %arg6[%get3A_562, %get3A_563, %get3A_564] {strides = array<i32>} : memref<8x100x64xf32, #tpu.memory_space<vmem>>, vector<1x1x16xf32>,
        %get3A_566 = vector.shape_cast %get3A_565 : vector<1x1x16xf32> to vector<16xf32>
        %add3A_567 = arith.addf %add3A_537, %get3A_566 : vector<16xf32>
        %get3A_568 = arith.constant 1 : i32
        %get3A_569 = arith.index_cast %get3A_568 : i32 to index
        %get3A_570 = arith.index_cast %add3A_546 : i32 to index
        %get3A_571 = arith.constant 48 : index
        %get3A_572 = tpu.vector_load %arg6[%get3A_569, %get3A_570, %get3A_571] {strides = array<i32>} : memref<8x100x64xf32, #tpu.memory_space<vmem>>, vector<1x1x16xf32>,
        %get3A_573 = vector.shape_cast %get3A_572 : vector<1x1x16xf32> to vector<16xf32>
        %add3A_574 = arith.addf %add3A_544, %get3A_573 : vector<16xf32>
        scf.yield %add3A_553, %add3A_560, %add3A_567, %add3A_574 : vector<16xf32>, vector<16xf32>, vector<16xf32>, vector<16xf32>
      }
      %scan3A_152 = arith.constant 20 : i32
      %add3A_153 = arith.constant 1 : i32
      %add3A_154 = arith.addi %mul3A_111, %add3A_153 : i32
      %add3A_155 = arith.constant 8 : i32
      %add3A_156 = arith.addi %add3A_154, %add3A_155 : i32
      %lt3A_157 = arith.constant 256 : i32
      %lt3A_158 = arith.cmpi slt, %add3A_156, %lt3A_157 : i32
      %convert_element_type3A_159 = arith.extui %lt3A_158 : i1 to i32
      %cond3A_160 = arith.constant 0 : i32
      %cond3A_161 = arith.cmpi ne, %convert_element_type3A_159, %cond3A_160 : i32
      scf.if %cond3A_161 {
        %add3A_419 = arith.constant 1 : i32
        %add3A_420 = arith.addi %mul3A_111, %add3A_419 : i32
        %add3A_421 = arith.constant 8 : i32
        %add3A_422 = arith.addi %add3A_420, %add3A_421 : i32
        %dma_start3A_423 = arith.constant 1 : i32
        %dma_start3A_424 = arith.constant 0 : i32
        %dma_start3A_425 = arith.constant 0 : i32
        %dma_start3A_426 = tpu.memref_slice %arg6[%dma_start3A_423, %dma_start3A_424, %dma_start3A_425] : memref<8x100x64xf32, #tpu.memory_space<vmem>> -> memref<1x100x64xf32, #tpu.memory_space<vmem>>
        %dma_start3A_427 = tpu.memref_squeeze %dma_start3A_426 : memref<1x100x64xf32, #tpu.memory_space<vmem>> -> memref<100x64xf32, #tpu.memory_space<vmem>>
        %dma_start3A_428 = arith.constant 0 : i32
        %dma_start3A_429 = tpu.memref_slice %arg5[%add3A_422, %dma_start3A_428] : memref<256x100xi32, #tpu.memory_space<vmem>> -> memref<1x100xi32, #tpu.memory_space<vmem>>
        %dma_start3A_430 = tpu.memref_squeeze %dma_start3A_429 : memref<1x100xi32, #tpu.memory_space<vmem>> -> memref<100xi32, #tpu.memory_space<vmem>>
        %dma_start3A_431 = arith.constant 0 : i32
        %dma_start3A_432 = arith.constant 0 : i32
        %dma_start3A_433 = tpu.memref_slice %arg3[%dma_start3A_431, %dma_start3A_432] : memref<1015808x64xf32, #tpu.memory_space<hbm>> -> memref<1015808x64xf32, #tpu.memory_space<hbm>>
        tpu.enqueue_indirect_dma source(%dma_start3A_433 : memref<1015808x64xf32, #tpu.memory_space<hbm>>) target(%dma_start3A_427 : memref<100x64xf32, #tpu.memory_space<vmem>>) offsets(%dma_start3A_430 : memref<100xi32, #tpu.memory_space<vmem>>) semaphore(%arg9 : memref<!tpu.dma_semaphore, #tpu.memory_space<semaphore_mem>>)
      } else {
      }
      %mul3A_162 = arith.constant 4 : i32
      %mul3A_163 = arith.muli %mul3A_162, %add3A_109 : i32
      %add3A_164 = arith.constant 0 : i32
      %add3A_165 = arith.addi %mul3A_163, %add3A_164 : i32
      %swap3A = arith.index_cast %add3A_165 : i32 to index
      %swap3A_166 = arith.constant 0 : index
      %swap3A_167 = tpu.vector_load %arg7[%swap3A, %swap3A_166] {strides = array<i32>} : memref<128x64xf32, #tpu.memory_space<vmem>>, vector<1x16xf32>,
      %swap3A_168 = vector.shape_cast %swap3A_167 : vector<1x16xf32> to vector<16xf32>
      %swap3A_169 = vector.shape_cast %scan3A_151#0 : vector<16xf32> to vector<1x16xf32>
      tpu.vector_store %arg7[%swap3A, %swap3A_166], %swap3A_169 {strides = array<i32>} : memref<128x64xf32, #tpu.memory_space<vmem>>, vector<1x16xf32>,
      %swap3A_170 = arith.index_cast %add3A_165 : i32 to index
      %swap3A_171 = arith.constant 16 : index
      %swap3A_172 = tpu.vector_load %arg7[%swap3A_170, %swap3A_171] {strides = array<i32>} : memref<128x64xf32, #tpu.memory_space<vmem>>, vector<1x16xf32>,
      %swap3A_173 = vector.shape_cast %swap3A_172 : vector<1x16xf32> to vector<16xf32>
      %swap3A_174 = vector.shape_cast %scan3A_151#1 : vector<16xf32> to vector<1x16xf32>
      tpu.vector_store %arg7[%swap3A_170, %swap3A_171], %swap3A_174 {strides = array<i32>} : memref<128x64xf32, #tpu.memory_space<vmem>>, vector<1x16xf32>,
      %swap3A_175 = arith.index_cast %add3A_165 : i32 to index
      %swap3A_176 = arith.constant 32 : index
      %swap3A_177 = tpu.vector_load %arg7[%swap3A_175, %swap3A_176] {strides = array<i32>} : memref<128x64xf32, #tpu.memory_space<vmem>>, vector<1x16xf32>,
      %swap3A_178 = vector.shape_cast %swap3A_177 : vector<1x16xf32> to vector<16xf32>
      %swap3A_179 = vector.shape_cast %scan3A_151#2 : vector<16xf32> to vector<1x16xf32>
      tpu.vector_store %arg7[%swap3A_175, %swap3A_176], %swap3A_179 {strides = array<i32>} : memref<128x64xf32, #tpu.memory_space<vmem>>, vector<1x16xf32>,
      %swap3A_180 = arith.index_cast %add3A_165 : i32 to index
      %swap3A_181 = arith.constant 48 : index
      %swap3A_182 = tpu.vector_load %arg7[%swap3A_180, %swap3A_181] {strides = array<i32>} : memref<128x64xf32, #tpu.memory_space<vmem>>, vector<1x16xf32>,
      %swap3A_183 = vector.shape_cast %swap3A_182 : vector<1x16xf32> to vector<16xf32>
      %swap3A_184 = vector.shape_cast %scan3A_151#3 : vector<16xf32> to vector<1x16xf32>
      tpu.vector_store %arg7[%swap3A_180, %swap3A_181], %swap3A_184 {strides = array<i32>} : memref<128x64xf32, #tpu.memory_space<vmem>>, vector<1x16xf32>,
      %dma_wait3A_185 = arith.constant 0 : i32
      %dma_wait3A_186 = arith.constant 2 : i32
      %dma_wait3A_187 = arith.constant 0 : i32
      %dma_wait3A_188 = arith.constant 0 : i32
      %dma_wait3A_189 = tpu.memref_slice %arg6[%dma_wait3A_186, %dma_wait3A_187, %dma_wait3A_188] : memref<8x100x64xf32, #tpu.memory_space<vmem>> -> memref<1x100x64xf32, #tpu.memory_space<vmem>>
      %dma_wait3A_190 = tpu.memref_squeeze %dma_wait3A_189 : memref<1x100x64xf32, #tpu.memory_space<vmem>> -> memref<100x64xf32, #tpu.memory_space<vmem>>
      %dma_wait3A_191 = arith.constant 0 : i32
      %dma_wait3A_192 = tpu.memref_slice %arg5[%dma_wait3A_185, %dma_wait3A_191] : memref<256x100xi32, #tpu.memory_space<vmem>> -> memref<1x100xi32, #tpu.memory_space<vmem>>
      %dma_wait3A_193 = tpu.memref_squeeze %dma_wait3A_192 : memref<1x100xi32, #tpu.memory_space<vmem>> -> memref<100xi32, #tpu.memory_space<vmem>>
      %dma_wait3A_194 = arith.constant 0 : i32
      %dma_wait3A_195 = arith.constant 0 : i32
      %dma_wait3A_196 = tpu.memref_slice %arg3[%dma_wait3A_194, %dma_wait3A_195] : memref<1015808x64xf32, #tpu.memory_space<hbm>> -> memref<1015808x64xf32, #tpu.memory_space<hbm>>
      tpu.wait_indirect_dma semaphore(%arg10 : memref<!tpu.dma_semaphore, #tpu.memory_space<semaphore_mem>>) src(%dma_wait3A_196 : memref<1015808x64xf32, #tpu.memory_space<hbm>>) dst(%dma_wait3A_190 : memref<100x64xf32, #tpu.memory_space<vmem>>)
      %scan3A_197 = arith.constant 0 : i32
      %scan3A_198 = arith.constant 20 : i32
      %scan3A_199 = arith.addi %scan3A_197, %scan3A_198 : i32
      %scan3A_200 = arith.constant 1 : i32
      %scan3A_201:4 = scf.for %scan3A_419 = %scan3A_197 to %scan3A_199 step %scan3A_200 iter_args(%scan3A_420 = %broadcast_in_dim3A_98, %scan3A_421 = %broadcast_in_dim3A_98, %scan3A_422 = %broadcast_in_dim3A_98, %scan3A_423 = %broadcast_in_dim3A_98) -> (vector<16xf32>, vector<16xf32>, vector<16xf32>, vector<16xf32>)  : i32 {
        %mul3A_424 = arith.constant 5 : i32
        %mul3A_425 = arith.muli %scan3A_419, %mul3A_424 : i32
        %add3A_426 = arith.constant 0 : i32
        %add3A_427 = arith.addi %mul3A_425, %add3A_426 : i32
        %get3A = arith.constant 2 : i32
        %get3A_428 = arith.index_cast %get3A : i32 to index
        %get3A_429 = arith.index_cast %add3A_427 : i32 to index
        %get3A_430 = arith.constant 0 : index
        %get3A_431 = tpu.vector_load %arg6[%get3A_428, %get3A_429, %get3A_430] {strides = array<i32>} : memref<8x100x64xf32, #tpu.memory_space<vmem>>, vector<1x1x16xf32>,
        %get3A_432 = vector.shape_cast %get3A_431 : vector<1x1x16xf32> to vector<16xf32>
        %add3A_433 = arith.addf %scan3A_420, %get3A_432 : vector<16xf32>
        %get3A_434 = arith.constant 2 : i32
        %get3A_435 = arith.index_cast %get3A_434 : i32 to index
        %get3A_436 = arith.index_cast %add3A_427 : i32 to index
        %get3A_437 = arith.constant 16 : index
        %get3A_438 = tpu.vector_load %arg6[%get3A_435, %get3A_436, %get3A_437] {strides = array<i32>} : memref<8x100x64xf32, #tpu.memory_space<vmem>>, vector<1x1x16xf32>,
        %get3A_439 = vector.shape_cast %get3A_438 : vector<1x1x16xf32> to vector<16xf32>
        %add3A_440 = arith.addf %scan3A_421, %get3A_439 : vector<16xf32>
        %get3A_441 = arith.constant 2 : i32
        %get3A_442 = arith.index_cast %get3A_441 : i32 to index
        %get3A_443 = arith.index_cast %add3A_427 : i32 to index
        %get3A_444 = arith.constant 32 : index
        %get3A_445 = tpu.vector_load %arg6[%get3A_442, %get3A_443, %get3A_444] {strides = array<i32>} : memref<8x100x64xf32, #tpu.memory_space<vmem>>, vector<1x1x16xf32>,
        %get3A_446 = vector.shape_cast %get3A_445 : vector<1x1x16xf32> to vector<16xf32>
        %add3A_447 = arith.addf %scan3A_422, %get3A_446 : vector<16xf32>
        %get3A_448 = arith.constant 2 : i32
        %get3A_449 = arith.index_cast %get3A_448 : i32 to index
        %get3A_450 = arith.index_cast %add3A_427 : i32 to index
        %get3A_451 = arith.constant 48 : index
        %get3A_452 = tpu.vector_load %arg6[%get3A_449, %get3A_450, %get3A_451] {strides = array<i32>} : memref<8x100x64xf32, #tpu.memory_space<vmem>>, vector<1x1x16xf32>,
        %get3A_453 = vector.shape_cast %get3A_452 : vector<1x1x16xf32> to vector<16xf32>
        %add3A_454 = arith.addf %scan3A_423, %get3A_453 : vector<16xf32>
        %add3A_455 = arith.constant 1 : i32
        %add3A_456 = arith.addi %mul3A_425, %add3A_455 : i32
        %get3A_457 = arith.constant 2 : i32
        %get3A_458 = arith.index_cast %get3A_457 : i32 to index
        %get3A_459 = arith.index_cast %add3A_456 : i32 to index
        %get3A_460 = arith.constant 0 : index
        %get3A_461 = tpu.vector_load %arg6[%get3A_458, %get3A_459, %get3A_460] {strides = array<i32>} : memref<8x100x64xf32, #tpu.memory_space<vmem>>, vector<1x1x16xf32>,
        %get3A_462 = vector.shape_cast %get3A_461 : vector<1x1x16xf32> to vector<16xf32>
        %add3A_463 = arith.addf %add3A_433, %get3A_462 : vector<16xf32>
        %get3A_464 = arith.constant 2 : i32
        %get3A_465 = arith.index_cast %get3A_464 : i32 to index
        %get3A_466 = arith.index_cast %add3A_456 : i32 to index
        %get3A_467 = arith.constant 16 : index
        %get3A_468 = tpu.vector_load %arg6[%get3A_465, %get3A_466, %get3A_467] {strides = array<i32>} : memref<8x100x64xf32, #tpu.memory_space<vmem>>, vector<1x1x16xf32>,
        %get3A_469 = vector.shape_cast %get3A_468 : vector<1x1x16xf32> to vector<16xf32>
        %add3A_470 = arith.addf %add3A_440, %get3A_469 : vector<16xf32>
        %get3A_471 = arith.constant 2 : i32
        %get3A_472 = arith.index_cast %get3A_471 : i32 to index
        %get3A_473 = arith.index_cast %add3A_456 : i32 to index
        %get3A_474 = arith.constant 32 : index
        %get3A_475 = tpu.vector_load %arg6[%get3A_472, %get3A_473, %get3A_474] {strides = array<i32>} : memref<8x100x64xf32, #tpu.memory_space<vmem>>, vector<1x1x16xf32>,
        %get3A_476 = vector.shape_cast %get3A_475 : vector<1x1x16xf32> to vector<16xf32>
        %add3A_477 = arith.addf %add3A_447, %get3A_476 : vector<16xf32>
        %get3A_478 = arith.constant 2 : i32
        %get3A_479 = arith.index_cast %get3A_478 : i32 to index
        %get3A_480 = arith.index_cast %add3A_456 : i32 to index
        %get3A_481 = arith.constant 48 : index
        %get3A_482 = tpu.vector_load %arg6[%get3A_479, %get3A_480, %get3A_481] {strides = array<i32>} : memref<8x100x64xf32, #tpu.memory_space<vmem>>, vector<1x1x16xf32>,
        %get3A_483 = vector.shape_cast %get3A_482 : vector<1x1x16xf32> to vector<16xf32>
        %add3A_484 = arith.addf %add3A_454, %get3A_483 : vector<16xf32>
        %add3A_485 = arith.constant 2 : i32
        %add3A_486 = arith.addi %mul3A_425, %add3A_485 : i32
        %get3A_487 = arith.constant 2 : i32
        %get3A_488 = arith.index_cast %get3A_487 : i32 to index
        %get3A_489 = arith.index_cast %add3A_486 : i32 to index
        %get3A_490 = arith.constant 0 : index
        %get3A_491 = tpu.vector_load %arg6[%get3A_488, %get3A_489, %get3A_490] {strides = array<i32>} : memref<8x100x64xf32, #tpu.memory_space<vmem>>, vector<1x1x16xf32>,
        %get3A_492 = vector.shape_cast %get3A_491 : vector<1x1x16xf32> to vector<16xf32>
        %add3A_493 = arith.addf %add3A_463, %get3A_492 : vector<16xf32>
        %get3A_494 = arith.constant 2 : i32
        %get3A_495 = arith.index_cast %get3A_494 : i32 to index
        %get3A_496 = arith.index_cast %add3A_486 : i32 to index
        %get3A_497 = arith.constant 16 : index
        %get3A_498 = tpu.vector_load %arg6[%get3A_495, %get3A_496, %get3A_497] {strides = array<i32>} : memref<8x100x64xf32, #tpu.memory_space<vmem>>, vector<1x1x16xf32>,
        %get3A_499 = vector.shape_cast %get3A_498 : vector<1x1x16xf32> to vector<16xf32>
        %add3A_500 = arith.addf %add3A_470, %get3A_499 : vector<16xf32>
        %get3A_501 = arith.constant 2 : i32
        %get3A_502 = arith.index_cast %get3A_501 : i32 to index
        %get3A_503 = arith.index_cast %add3A_486 : i32 to index
        %get3A_504 = arith.constant 32 : index
        %get3A_505 = tpu.vector_load %arg6[%get3A_502, %get3A_503, %get3A_504] {strides = array<i32>} : memref<8x100x64xf32, #tpu.memory_space<vmem>>, vector<1x1x16xf32>,
        %get3A_506 = vector.shape_cast %get3A_505 : vector<1x1x16xf32> to vector<16xf32>
        %add3A_507 = arith.addf %add3A_477, %get3A_506 : vector<16xf32>
        %get3A_508 = arith.constant 2 : i32
        %get3A_509 = arith.index_cast %get3A_508 : i32 to index
        %get3A_510 = arith.index_cast %add3A_486 : i32 to index
        %get3A_511 = arith.constant 48 : index
        %get3A_512 = tpu.vector_load %arg6[%get3A_509, %get3A_510, %get3A_511] {strides = array<i32>} : memref<8x100x64xf32, #tpu.memory_space<vmem>>, vector<1x1x16xf32>,
        %get3A_513 = vector.shape_cast %get3A_512 : vector<1x1x16xf32> to vector<16xf32>
        %add3A_514 = arith.addf %add3A_484, %get3A_513 : vector<16xf32>
        %add3A_515 = arith.constant 3 : i32
        %add3A_516 = arith.addi %mul3A_425, %add3A_515 : i32
        %get3A_517 = arith.constant 2 : i32
        %get3A_518 = arith.index_cast %get3A_517 : i32 to index
        %get3A_519 = arith.index_cast %add3A_516 : i32 to index
        %get3A_520 = arith.constant 0 : index
        %get3A_521 = tpu.vector_load %arg6[%get3A_518, %get3A_519, %get3A_520] {strides = array<i32>} : memref<8x100x64xf32, #tpu.memory_space<vmem>>, vector<1x1x16xf32>,
        %get3A_522 = vector.shape_cast %get3A_521 : vector<1x1x16xf32> to vector<16xf32>
        %add3A_523 = arith.addf %add3A_493, %get3A_522 : vector<16xf32>
        %get3A_524 = arith.constant 2 : i32
        %get3A_525 = arith.index_cast %get3A_524 : i32 to index
        %get3A_526 = arith.index_cast %add3A_516 : i32 to index
        %get3A_527 = arith.constant 16 : index
        %get3A_528 = tpu.vector_load %arg6[%get3A_525, %get3A_526, %get3A_527] {strides = array<i32>} : memref<8x100x64xf32, #tpu.memory_space<vmem>>, vector<1x1x16xf32>,
        %get3A_529 = vector.shape_cast %get3A_528 : vector<1x1x16xf32> to vector<16xf32>
        %add3A_530 = arith.addf %add3A_500, %get3A_529 : vector<16xf32>
        %get3A_531 = arith.constant 2 : i32
        %get3A_532 = arith.index_cast %get3A_531 : i32 to index
        %get3A_533 = arith.index_cast %add3A_516 : i32 to index
        %get3A_534 = arith.constant 32 : index
        %get3A_535 = tpu.vector_load %arg6[%get3A_532, %get3A_533, %get3A_534] {strides = array<i32>} : memref<8x100x64xf32, #tpu.memory_space<vmem>>, vector<1x1x16xf32>,
        %get3A_536 = vector.shape_cast %get3A_535 : vector<1x1x16xf32> to vector<16xf32>
        %add3A_537 = arith.addf %add3A_507, %get3A_536 : vector<16xf32>
        %get3A_538 = arith.constant 2 : i32
        %get3A_539 = arith.index_cast %get3A_538 : i32 to index
        %get3A_540 = arith.index_cast %add3A_516 : i32 to index
        %get3A_541 = arith.constant 48 : index
        %get3A_542 = tpu.vector_load %arg6[%get3A_539, %get3A_540, %get3A_541] {strides = array<i32>} : memref<8x100x64xf32, #tpu.memory_space<vmem>>, vector<1x1x16xf32>,
        %get3A_543 = vector.shape_cast %get3A_542 : vector<1x1x16xf32> to vector<16xf32>
        %add3A_544 = arith.addf %add3A_514, %get3A_543 : vector<16xf32>
        %add3A_545 = arith.constant 4 : i32
        %add3A_546 = arith.addi %mul3A_425, %add3A_545 : i32
        %get3A_547 = arith.constant 2 : i32
        %get3A_548 = arith.index_cast %get3A_547 : i32 to index
        %get3A_549 = arith.index_cast %add3A_546 : i32 to index
        %get3A_550 = arith.constant 0 : index
        %get3A_551 = tpu.vector_load %arg6[%get3A_548, %get3A_549, %get3A_550] {strides = array<i32>} : memref<8x100x64xf32, #tpu.memory_space<vmem>>, vector<1x1x16xf32>,
        %get3A_552 = vector.shape_cast %get3A_551 : vector<1x1x16xf32> to vector<16xf32>
        %add3A_553 = arith.addf %add3A_523, %get3A_552 : vector<16xf32>
        %get3A_554 = arith.constant 2 : i32
        %get3A_555 = arith.index_cast %get3A_554 : i32 to index
        %get3A_556 = arith.index_cast %add3A_546 : i32 to index
        %get3A_557 = arith.constant 16 : index
        %get3A_558 = tpu.vector_load %arg6[%get3A_555, %get3A_556, %get3A_557] {strides = array<i32>} : memref<8x100x64xf32, #tpu.memory_space<vmem>>, vector<1x1x16xf32>,
        %get3A_559 = vector.shape_cast %get3A_558 : vector<1x1x16xf32> to vector<16xf32>
        %add3A_560 = arith.addf %add3A_530, %get3A_559 : vector<16xf32>
        %get3A_561 = arith.constant 2 : i32
        %get3A_562 = arith.index_cast %get3A_561 : i32 to index
        %get3A_563 = arith.index_cast %add3A_546 : i32 to index
        %get3A_564 = arith.constant 32 : index
        %get3A_565 = tpu.vector_load %arg6[%get3A_562, %get3A_563, %get3A_564] {strides = array<i32>} : memref<8x100x64xf32, #tpu.memory_space<vmem>>, vector<1x1x16xf32>,
        %get3A_566 = vector.shape_cast %get3A_565 : vector<1x1x16xf32> to vector<16xf32>
        %add3A_567 = arith.addf %add3A_537, %get3A_566 : vector<16xf32>
        %get3A_568 = arith.constant 2 : i32
        %get3A_569 = arith.index_cast %get3A_568 : i32 to index
        %get3A_570 = arith.index_cast %add3A_546 : i32 to index
        %get3A_571 = arith.constant 48 : index
        %get3A_572 = tpu.vector_load %arg6[%get3A_569, %get3A_570, %get3A_571] {strides = array<i32>} : memref<8x100x64xf32, #tpu.memory_space<vmem>>, vector<1x1x16xf32>,
        %get3A_573 = vector.shape_cast %get3A_572 : vector<1x1x16xf32> to vector<16xf32>
        %add3A_574 = arith.addf %add3A_544, %get3A_573 : vector<16xf32>
        scf.yield %add3A_553, %add3A_560, %add3A_567, %add3A_574 : vector<16xf32>, vector<16xf32>, vector<16xf32>, vector<16xf32>
      }
      %scan3A_202 = arith.constant 20 : i32
      %add3A_203 = arith.constant 2 : i32
      %add3A_204 = arith.addi %mul3A_111, %add3A_203 : i32
      %add3A_205 = arith.constant 8 : i32
      %add3A_206 = arith.addi %add3A_204, %add3A_205 : i32
      %lt3A_207 = arith.constant 256 : i32
      %lt3A_208 = arith.cmpi slt, %add3A_206, %lt3A_207 : i32
      %convert_element_type3A_209 = arith.extui %lt3A_208 : i1 to i32
      %cond3A_210 = arith.constant 0 : i32
      %cond3A_211 = arith.cmpi ne, %convert_element_type3A_209, %cond3A_210 : i32
      scf.if %cond3A_211 {
        %add3A_419 = arith.constant 2 : i32
        %add3A_420 = arith.addi %mul3A_111, %add3A_419 : i32
        %add3A_421 = arith.constant 8 : i32
        %add3A_422 = arith.addi %add3A_420, %add3A_421 : i32
        %dma_start3A_423 = arith.constant 2 : i32
        %dma_start3A_424 = arith.constant 0 : i32
        %dma_start3A_425 = arith.constant 0 : i32
        %dma_start3A_426 = tpu.memref_slice %arg6[%dma_start3A_423, %dma_start3A_424, %dma_start3A_425] : memref<8x100x64xf32, #tpu.memory_space<vmem>> -> memref<1x100x64xf32, #tpu.memory_space<vmem>>
        %dma_start3A_427 = tpu.memref_squeeze %dma_start3A_426 : memref<1x100x64xf32, #tpu.memory_space<vmem>> -> memref<100x64xf32, #tpu.memory_space<vmem>>
        %dma_start3A_428 = arith.constant 0 : i32
        %dma_start3A_429 = tpu.memref_slice %arg5[%add3A_422, %dma_start3A_428] : memref<256x100xi32, #tpu.memory_space<vmem>> -> memref<1x100xi32, #tpu.memory_space<vmem>>
        %dma_start3A_430 = tpu.memref_squeeze %dma_start3A_429 : memref<1x100xi32, #tpu.memory_space<vmem>> -> memref<100xi32, #tpu.memory_space<vmem>>
        %dma_start3A_431 = arith.constant 0 : i32
        %dma_start3A_432 = arith.constant 0 : i32
        %dma_start3A_433 = tpu.memref_slice %arg3[%dma_start3A_431, %dma_start3A_432] : memref<1015808x64xf32, #tpu.memory_space<hbm>> -> memref<1015808x64xf32, #tpu.memory_space<hbm>>
        tpu.enqueue_indirect_dma source(%dma_start3A_433 : memref<1015808x64xf32, #tpu.memory_space<hbm>>) target(%dma_start3A_427 : memref<100x64xf32, #tpu.memory_space<vmem>>) offsets(%dma_start3A_430 : memref<100xi32, #tpu.memory_space<vmem>>) semaphore(%arg10 : memref<!tpu.dma_semaphore, #tpu.memory_space<semaphore_mem>>)
      } else {
      }
      %dma_wait3A_212 = arith.constant 0 : i32
      %dma_wait3A_213 = arith.constant 3 : i32
      %dma_wait3A_214 = arith.constant 0 : i32
      %dma_wait3A_215 = arith.constant 0 : i32
      %dma_wait3A_216 = tpu.memref_slice %arg6[%dma_wait3A_213, %dma_wait3A_214, %dma_wait3A_215] : memref<8x100x64xf32, #tpu.memory_space<vmem>> -> memref<1x100x64xf32, #tpu.memory_space<vmem>>
      %dma_wait3A_217 = tpu.memref_squeeze %dma_wait3A_216 : memref<1x100x64xf32, #tpu.memory_space<vmem>> -> memref<100x64xf32, #tpu.memory_space<vmem>>
      %dma_wait3A_218 = arith.constant 0 : i32
      %dma_wait3A_219 = tpu.memref_slice %arg5[%dma_wait3A_212, %dma_wait3A_218] : memref<256x100xi32, #tpu.memory_space<vmem>> -> memref<1x100xi32, #tpu.memory_space<vmem>>
      %dma_wait3A_220 = tpu.memref_squeeze %dma_wait3A_219 : memref<1x100xi32, #tpu.memory_space<vmem>> -> memref<100xi32, #tpu.memory_space<vmem>>
      %dma_wait3A_221 = arith.constant 0 : i32
      %dma_wait3A_222 = arith.constant 0 : i32
      %dma_wait3A_223 = tpu.memref_slice %arg3[%dma_wait3A_221, %dma_wait3A_222] : memref<1015808x64xf32, #tpu.memory_space<hbm>> -> memref<1015808x64xf32, #tpu.memory_space<hbm>>
      tpu.wait_indirect_dma semaphore(%arg11 : memref<!tpu.dma_semaphore, #tpu.memory_space<semaphore_mem>>) src(%dma_wait3A_223 : memref<1015808x64xf32, #tpu.memory_space<hbm>>) dst(%dma_wait3A_217 : memref<100x64xf32, #tpu.memory_space<vmem>>)
      %scan3A_224 = arith.constant 0 : i32
      %scan3A_225 = arith.constant 20 : i32
      %scan3A_226 = arith.addi %scan3A_224, %scan3A_225 : i32
      %scan3A_227 = arith.constant 1 : i32
      %scan3A_228:4 = scf.for %scan3A_419 = %scan3A_224 to %scan3A_226 step %scan3A_227 iter_args(%scan3A_420 = %scan3A_201#0, %scan3A_421 = %scan3A_201#1, %scan3A_422 = %scan3A_201#2, %scan3A_423 = %scan3A_201#3) -> (vector<16xf32>, vector<16xf32>, vector<16xf32>, vector<16xf32>)  : i32 {
        %mul3A_424 = arith.constant 5 : i32
        %mul3A_425 = arith.muli %scan3A_419, %mul3A_424 : i32
        %add3A_426 = arith.constant 0 : i32
        %add3A_427 = arith.addi %mul3A_425, %add3A_426 : i32
        %get3A = arith.constant 3 : i32
        %get3A_428 = arith.index_cast %get3A : i32 to index
        %get3A_429 = arith.index_cast %add3A_427 : i32 to index
        %get3A_430 = arith.constant 0 : index
        %get3A_431 = tpu.vector_load %arg6[%get3A_428, %get3A_429, %get3A_430] {strides = array<i32>} : memref<8x100x64xf32, #tpu.memory_space<vmem>>, vector<1x1x16xf32>,
        %get3A_432 = vector.shape_cast %get3A_431 : vector<1x1x16xf32> to vector<16xf32>
        %add3A_433 = arith.addf %scan3A_420, %get3A_432 : vector<16xf32>
        %get3A_434 = arith.constant 3 : i32
        %get3A_435 = arith.index_cast %get3A_434 : i32 to index
        %get3A_436 = arith.index_cast %add3A_427 : i32 to index
        %get3A_437 = arith.constant 16 : index
        %get3A_438 = tpu.vector_load %arg6[%get3A_435, %get3A_436, %get3A_437] {strides = array<i32>} : memref<8x100x64xf32, #tpu.memory_space<vmem>>, vector<1x1x16xf32>,
        %get3A_439 = vector.shape_cast %get3A_438 : vector<1x1x16xf32> to vector<16xf32>
        %add3A_440 = arith.addf %scan3A_421, %get3A_439 : vector<16xf32>
        %get3A_441 = arith.constant 3 : i32
        %get3A_442 = arith.index_cast %get3A_441 : i32 to index
        %get3A_443 = arith.index_cast %add3A_427 : i32 to index
        %get3A_444 = arith.constant 32 : index
        %get3A_445 = tpu.vector_load %arg6[%get3A_442, %get3A_443, %get3A_444] {strides = array<i32>} : memref<8x100x64xf32, #tpu.memory_space<vmem>>, vector<1x1x16xf32>,
        %get3A_446 = vector.shape_cast %get3A_445 : vector<1x1x16xf32> to vector<16xf32>
        %add3A_447 = arith.addf %scan3A_422, %get3A_446 : vector<16xf32>
        %get3A_448 = arith.constant 3 : i32
        %get3A_449 = arith.index_cast %get3A_448 : i32 to index
        %get3A_450 = arith.index_cast %add3A_427 : i32 to index
        %get3A_451 = arith.constant 48 : index
        %get3A_452 = tpu.vector_load %arg6[%get3A_449, %get3A_450, %get3A_451] {strides = array<i32>} : memref<8x100x64xf32, #tpu.memory_space<vmem>>, vector<1x1x16xf32>,
        %get3A_453 = vector.shape_cast %get3A_452 : vector<1x1x16xf32> to vector<16xf32>
        %add3A_454 = arith.addf %scan3A_423, %get3A_453 : vector<16xf32>
        %add3A_455 = arith.constant 1 : i32
        %add3A_456 = arith.addi %mul3A_425, %add3A_455 : i32
        %get3A_457 = arith.constant 3 : i32
        %get3A_458 = arith.index_cast %get3A_457 : i32 to index
        %get3A_459 = arith.index_cast %add3A_456 : i32 to index
        %get3A_460 = arith.constant 0 : index
        %get3A_461 = tpu.vector_load %arg6[%get3A_458, %get3A_459, %get3A_460] {strides = array<i32>} : memref<8x100x64xf32, #tpu.memory_space<vmem>>, vector<1x1x16xf32>,
        %get3A_462 = vector.shape_cast %get3A_461 : vector<1x1x16xf32> to vector<16xf32>
        %add3A_463 = arith.addf %add3A_433, %get3A_462 : vector<16xf32>
        %get3A_464 = arith.constant 3 : i32
        %get3A_465 = arith.index_cast %get3A_464 : i32 to index
        %get3A_466 = arith.index_cast %add3A_456 : i32 to index
        %get3A_467 = arith.constant 16 : index
        %get3A_468 = tpu.vector_load %arg6[%get3A_465, %get3A_466, %get3A_467] {strides = array<i32>} : memref<8x100x64xf32, #tpu.memory_space<vmem>>, vector<1x1x16xf32>,
        %get3A_469 = vector.shape_cast %get3A_468 : vector<1x1x16xf32> to vector<16xf32>
        %add3A_470 = arith.addf %add3A_440, %get3A_469 : vector<16xf32>
        %get3A_471 = arith.constant 3 : i32
        %get3A_472 = arith.index_cast %get3A_471 : i32 to index
        %get3A_473 = arith.index_cast %add3A_456 : i32 to index
        %get3A_474 = arith.constant 32 : index
        %get3A_475 = tpu.vector_load %arg6[%get3A_472, %get3A_473, %get3A_474] {strides = array<i32>} : memref<8x100x64xf32, #tpu.memory_space<vmem>>, vector<1x1x16xf32>,
        %get3A_476 = vector.shape_cast %get3A_475 : vector<1x1x16xf32> to vector<16xf32>
        %add3A_477 = arith.addf %add3A_447, %get3A_476 : vector<16xf32>
        %get3A_478 = arith.constant 3 : i32
        %get3A_479 = arith.index_cast %get3A_478 : i32 to index
        %get3A_480 = arith.index_cast %add3A_456 : i32 to index
        %get3A_481 = arith.constant 48 : index
        %get3A_482 = tpu.vector_load %arg6[%get3A_479, %get3A_480, %get3A_481] {strides = array<i32>} : memref<8x100x64xf32, #tpu.memory_space<vmem>>, vector<1x1x16xf32>,
        %get3A_483 = vector.shape_cast %get3A_482 : vector<1x1x16xf32> to vector<16xf32>
        %add3A_484 = arith.addf %add3A_454, %get3A_483 : vector<16xf32>
        %add3A_485 = arith.constant 2 : i32
        %add3A_486 = arith.addi %mul3A_425, %add3A_485 : i32
        %get3A_487 = arith.constant 3 : i32
        %get3A_488 = arith.index_cast %get3A_487 : i32 to index
        %get3A_489 = arith.index_cast %add3A_486 : i32 to index
        %get3A_490 = arith.constant 0 : index
        %get3A_491 = tpu.vector_load %arg6[%get3A_488, %get3A_489, %get3A_490] {strides = array<i32>} : memref<8x100x64xf32, #tpu.memory_space<vmem>>, vector<1x1x16xf32>,
        %get3A_492 = vector.shape_cast %get3A_491 : vector<1x1x16xf32> to vector<16xf32>
        %add3A_493 = arith.addf %add3A_463, %get3A_492 : vector<16xf32>
        %get3A_494 = arith.constant 3 : i32
        %get3A_495 = arith.index_cast %get3A_494 : i32 to index
        %get3A_496 = arith.index_cast %add3A_486 : i32 to index
        %get3A_497 = arith.constant 16 : index
        %get3A_498 = tpu.vector_load %arg6[%get3A_495, %get3A_496, %get3A_497] {strides = array<i32>} : memref<8x100x64xf32, #tpu.memory_space<vmem>>, vector<1x1x16xf32>,
        %get3A_499 = vector.shape_cast %get3A_498 : vector<1x1x16xf32> to vector<16xf32>
        %add3A_500 = arith.addf %add3A_470, %get3A_499 : vector<16xf32>
        %get3A_501 = arith.constant 3 : i32
        %get3A_502 = arith.index_cast %get3A_501 : i32 to index
        %get3A_503 = arith.index_cast %add3A_486 : i32 to index
        %get3A_504 = arith.constant 32 : index
        %get3A_505 = tpu.vector_load %arg6[%get3A_502, %get3A_503, %get3A_504] {strides = array<i32>} : memref<8x100x64xf32, #tpu.memory_space<vmem>>, vector<1x1x16xf32>,
        %get3A_506 = vector.shape_cast %get3A_505 : vector<1x1x16xf32> to vector<16xf32>
        %add3A_507 = arith.addf %add3A_477, %get3A_506 : vector<16xf32>
        %get3A_508 = arith.constant 3 : i32
        %get3A_509 = arith.index_cast %get3A_508 : i32 to index
        %get3A_510 = arith.index_cast %add3A_486 : i32 to index
        %get3A_511 = arith.constant 48 : index
        %get3A_512 = tpu.vector_load %arg6[%get3A_509, %get3A_510, %get3A_511] {strides = array<i32>} : memref<8x100x64xf32, #tpu.memory_space<vmem>>, vector<1x1x16xf32>,
        %get3A_513 = vector.shape_cast %get3A_512 : vector<1x1x16xf32> to vector<16xf32>
        %add3A_514 = arith.addf %add3A_484, %get3A_513 : vector<16xf32>
        %add3A_515 = arith.constant 3 : i32
        %add3A_516 = arith.addi %mul3A_425, %add3A_515 : i32
        %get3A_517 = arith.constant 3 : i32
        %get3A_518 = arith.index_cast %get3A_517 : i32 to index
        %get3A_519 = arith.index_cast %add3A_516 : i32 to index
        %get3A_520 = arith.constant 0 : index
        %get3A_521 = tpu.vector_load %arg6[%get3A_518, %get3A_519, %get3A_520] {strides = array<i32>} : memref<8x100x64xf32, #tpu.memory_space<vmem>>, vector<1x1x16xf32>,
        %get3A_522 = vector.shape_cast %get3A_521 : vector<1x1x16xf32> to vector<16xf32>
        %add3A_523 = arith.addf %add3A_493, %get3A_522 : vector<16xf32>
        %get3A_524 = arith.constant 3 : i32
        %get3A_525 = arith.index_cast %get3A_524 : i32 to index
        %get3A_526 = arith.index_cast %add3A_516 : i32 to index
        %get3A_527 = arith.constant 16 : index
        %get3A_528 = tpu.vector_load %arg6[%get3A_525, %get3A_526, %get3A_527] {strides = array<i32>} : memref<8x100x64xf32, #tpu.memory_space<vmem>>, vector<1x1x16xf32>,
        %get3A_529 = vector.shape_cast %get3A_528 : vector<1x1x16xf32> to vector<16xf32>
        %add3A_530 = arith.addf %add3A_500, %get3A_529 : vector<16xf32>
        %get3A_531 = arith.constant 3 : i32
        %get3A_532 = arith.index_cast %get3A_531 : i32 to index
        %get3A_533 = arith.index_cast %add3A_516 : i32 to index
        %get3A_534 = arith.constant 32 : index
        %get3A_535 = tpu.vector_load %arg6[%get3A_532, %get3A_533, %get3A_534] {strides = array<i32>} : memref<8x100x64xf32, #tpu.memory_space<vmem>>, vector<1x1x16xf32>,
        %get3A_536 = vector.shape_cast %get3A_535 : vector<1x1x16xf32> to vector<16xf32>
        %add3A_537 = arith.addf %add3A_507, %get3A_536 : vector<16xf32>
        %get3A_538 = arith.constant 3 : i32
        %get3A_539 = arith.index_cast %get3A_538 : i32 to index
        %get3A_540 = arith.index_cast %add3A_516 : i32 to index
        %get3A_541 = arith.constant 48 : index
        %get3A_542 = tpu.vector_load %arg6[%get3A_539, %get3A_540, %get3A_541] {strides = array<i32>} : memref<8x100x64xf32, #tpu.memory_space<vmem>>, vector<1x1x16xf32>,
        %get3A_543 = vector.shape_cast %get3A_542 : vector<1x1x16xf32> to vector<16xf32>
        %add3A_544 = arith.addf %add3A_514, %get3A_543 : vector<16xf32>
        %add3A_545 = arith.constant 4 : i32
        %add3A_546 = arith.addi %mul3A_425, %add3A_545 : i32
        %get3A_547 = arith.constant 3 : i32
        %get3A_548 = arith.index_cast %get3A_547 : i32 to index
        %get3A_549 = arith.index_cast %add3A_546 : i32 to index
        %get3A_550 = arith.constant 0 : index
        %get3A_551 = tpu.vector_load %arg6[%get3A_548, %get3A_549, %get3A_550] {strides = array<i32>} : memref<8x100x64xf32, #tpu.memory_space<vmem>>, vector<1x1x16xf32>,
        %get3A_552 = vector.shape_cast %get3A_551 : vector<1x1x16xf32> to vector<16xf32>
        %add3A_553 = arith.addf %add3A_523, %get3A_552 : vector<16xf32>
        %get3A_554 = arith.constant 3 : i32
        %get3A_555 = arith.index_cast %get3A_554 : i32 to index
        %get3A_556 = arith.index_cast %add3A_546 : i32 to index
        %get3A_557 = arith.constant 16 : index
        %get3A_558 = tpu.vector_load %arg6[%get3A_555, %get3A_556, %get3A_557] {strides = array<i32>} : memref<8x100x64xf32, #tpu.memory_space<vmem>>, vector<1x1x16xf32>,
        %get3A_559 = vector.shape_cast %get3A_558 : vector<1x1x16xf32> to vector<16xf32>
        %add3A_560 = arith.addf %add3A_530, %get3A_559 : vector<16xf32>
        %get3A_561 = arith.constant 3 : i32
        %get3A_562 = arith.index_cast %get3A_561 : i32 to index
        %get3A_563 = arith.index_cast %add3A_546 : i32 to index
        %get3A_564 = arith.constant 32 : index
        %get3A_565 = tpu.vector_load %arg6[%get3A_562, %get3A_563, %get3A_564] {strides = array<i32>} : memref<8x100x64xf32, #tpu.memory_space<vmem>>, vector<1x1x16xf32>,
        %get3A_566 = vector.shape_cast %get3A_565 : vector<1x1x16xf32> to vector<16xf32>
        %add3A_567 = arith.addf %add3A_537, %get3A_566 : vector<16xf32>
        %get3A_568 = arith.constant 3 : i32
        %get3A_569 = arith.index_cast %get3A_568 : i32 to index
        %get3A_570 = arith.index_cast %add3A_546 : i32 to index
        %get3A_571 = arith.constant 48 : index
        %get3A_572 = tpu.vector_load %arg6[%get3A_569, %get3A_570, %get3A_571] {strides = array<i32>} : memref<8x100x64xf32, #tpu.memory_space<vmem>>, vector<1x1x16xf32>,
        %get3A_573 = vector.shape_cast %get3A_572 : vector<1x1x16xf32> to vector<16xf32>
        %add3A_574 = arith.addf %add3A_544, %get3A_573 : vector<16xf32>
        scf.yield %add3A_553, %add3A_560, %add3A_567, %add3A_574 : vector<16xf32>, vector<16xf32>, vector<16xf32>, vector<16xf32>
      }
      %scan3A_229 = arith.constant 20 : i32
      %add3A_230 = arith.constant 3 : i32
      %add3A_231 = arith.addi %mul3A_111, %add3A_230 : i32
      %add3A_232 = arith.constant 8 : i32
      %add3A_233 = arith.addi %add3A_231, %add3A_232 : i32
      %lt3A_234 = arith.constant 256 : i32
      %lt3A_235 = arith.cmpi slt, %add3A_233, %lt3A_234 : i32
      %convert_element_type3A_236 = arith.extui %lt3A_235 : i1 to i32
      %cond3A_237 = arith.constant 0 : i32
      %cond3A_238 = arith.cmpi ne, %convert_element_type3A_236, %cond3A_237 : i32
      scf.if %cond3A_238 {
        %add3A_419 = arith.constant 3 : i32
        %add3A_420 = arith.addi %mul3A_111, %add3A_419 : i32
        %add3A_421 = arith.constant 8 : i32
        %add3A_422 = arith.addi %add3A_420, %add3A_421 : i32
        %dma_start3A_423 = arith.constant 3 : i32
        %dma_start3A_424 = arith.constant 0 : i32
        %dma_start3A_425 = arith.constant 0 : i32
        %dma_start3A_426 = tpu.memref_slice %arg6[%dma_start3A_423, %dma_start3A_424, %dma_start3A_425] : memref<8x100x64xf32, #tpu.memory_space<vmem>> -> memref<1x100x64xf32, #tpu.memory_space<vmem>>
        %dma_start3A_427 = tpu.memref_squeeze %dma_start3A_426 : memref<1x100x64xf32, #tpu.memory_space<vmem>> -> memref<100x64xf32, #tpu.memory_space<vmem>>
        %dma_start3A_428 = arith.constant 0 : i32
        %dma_start3A_429 = tpu.memref_slice %arg5[%add3A_422, %dma_start3A_428] : memref<256x100xi32, #tpu.memory_space<vmem>> -> memref<1x100xi32, #tpu.memory_space<vmem>>
        %dma_start3A_430 = tpu.memref_squeeze %dma_start3A_429 : memref<1x100xi32, #tpu.memory_space<vmem>> -> memref<100xi32, #tpu.memory_space<vmem>>
        %dma_start3A_431 = arith.constant 0 : i32
        %dma_start3A_432 = arith.constant 0 : i32
        %dma_start3A_433 = tpu.memref_slice %arg3[%dma_start3A_431, %dma_start3A_432] : memref<1015808x64xf32, #tpu.memory_space<hbm>> -> memref<1015808x64xf32, #tpu.memory_space<hbm>>
        tpu.enqueue_indirect_dma source(%dma_start3A_433 : memref<1015808x64xf32, #tpu.memory_space<hbm>>) target(%dma_start3A_427 : memref<100x64xf32, #tpu.memory_space<vmem>>) offsets(%dma_start3A_430 : memref<100xi32, #tpu.memory_space<vmem>>) semaphore(%arg11 : memref<!tpu.dma_semaphore, #tpu.memory_space<semaphore_mem>>)
      } else {
      }
      %mul3A_239 = arith.constant 4 : i32
      %mul3A_240 = arith.muli %mul3A_239, %add3A_109 : i32
      %add3A_241 = arith.constant 1 : i32
      %add3A_242 = arith.addi %mul3A_240, %add3A_241 : i32
      %swap3A_243 = arith.index_cast %add3A_242 : i32 to index
      %swap3A_244 = arith.constant 0 : index
      %swap3A_245 = tpu.vector_load %arg7[%swap3A_243, %swap3A_244] {strides = array<i32>} : memref<128x64xf32, #tpu.memory_space<vmem>>, vector<1x16xf32>,
      %swap3A_246 = vector.shape_cast %swap3A_245 : vector<1x16xf32> to vector<16xf32>
      %swap3A_247 = vector.shape_cast %scan3A_228#0 : vector<16xf32> to vector<1x16xf32>
      tpu.vector_store %arg7[%swap3A_243, %swap3A_244], %swap3A_247 {strides = array<i32>} : memref<128x64xf32, #tpu.memory_space<vmem>>, vector<1x16xf32>,
      %swap3A_248 = arith.index_cast %add3A_242 : i32 to index
      %swap3A_249 = arith.constant 16 : index
      %swap3A_250 = tpu.vector_load %arg7[%swap3A_248, %swap3A_249] {strides = array<i32>} : memref<128x64xf32, #tpu.memory_space<vmem>>, vector<1x16xf32>,
      %swap3A_251 = vector.shape_cast %swap3A_250 : vector<1x16xf32> to vector<16xf32>
      %swap3A_252 = vector.shape_cast %scan3A_228#1 : vector<16xf32> to vector<1x16xf32>
      tpu.vector_store %arg7[%swap3A_248, %swap3A_249], %swap3A_252 {strides = array<i32>} : memref<128x64xf32, #tpu.memory_space<vmem>>, vector<1x16xf32>,
      %swap3A_253 = arith.index_cast %add3A_242 : i32 to index
      %swap3A_254 = arith.constant 32 : index
      %swap3A_255 = tpu.vector_load %arg7[%swap3A_253, %swap3A_254] {strides = array<i32>} : memref<128x64xf32, #tpu.memory_space<vmem>>, vector<1x16xf32>,
      %swap3A_256 = vector.shape_cast %swap3A_255 : vector<1x16xf32> to vector<16xf32>
      %swap3A_257 = vector.shape_cast %scan3A_228#2 : vector<16xf32> to vector<1x16xf32>
      tpu.vector_store %arg7[%swap3A_253, %swap3A_254], %swap3A_257 {strides = array<i32>} : memref<128x64xf32, #tpu.memory_space<vmem>>, vector<1x16xf32>,
      %swap3A_258 = arith.index_cast %add3A_242 : i32 to index
      %swap3A_259 = arith.constant 48 : index
      %swap3A_260 = tpu.vector_load %arg7[%swap3A_258, %swap3A_259] {strides = array<i32>} : memref<128x64xf32, #tpu.memory_space<vmem>>, vector<1x16xf32>,
      %swap3A_261 = vector.shape_cast %swap3A_260 : vector<1x16xf32> to vector<16xf32>
      %swap3A_262 = vector.shape_cast %scan3A_228#3 : vector<16xf32> to vector<1x16xf32>
      tpu.vector_store %arg7[%swap3A_258, %swap3A_259], %swap3A_262 {strides = array<i32>} : memref<128x64xf32, #tpu.memory_space<vmem>>, vector<1x16xf32>,
      %dma_wait3A_263 = arith.constant 0 : i32
      %dma_wait3A_264 = arith.constant 4 : i32
      %dma_wait3A_265 = arith.constant 0 : i32
      %dma_wait3A_266 = arith.constant 0 : i32
      %dma_wait3A_267 = tpu.memref_slice %arg6[%dma_wait3A_264, %dma_wait3A_265, %dma_wait3A_266] : memref<8x100x64xf32, #tpu.memory_space<vmem>> -> memref<1x100x64xf32, #tpu.memory_space<vmem>>
      %dma_wait3A_268 = tpu.memref_squeeze %dma_wait3A_267 : memref<1x100x64xf32, #tpu.memory_space<vmem>> -> memref<100x64xf32, #tpu.memory_space<vmem>>
      %dma_wait3A_269 = arith.constant 0 : i32
      %dma_wait3A_270 = tpu.memref_slice %arg5[%dma_wait3A_263, %dma_wait3A_269] : memref<256x100xi32, #tpu.memory_space<vmem>> -> memref<1x100xi32, #tpu.memory_space<vmem>>
      %dma_wait3A_271 = tpu.memref_squeeze %dma_wait3A_270 : memref<1x100xi32, #tpu.memory_space<vmem>> -> memref<100xi32, #tpu.memory_space<vmem>>
      %dma_wait3A_272 = arith.constant 0 : i32
      %dma_wait3A_273 = arith.constant 0 : i32
      %dma_wait3A_274 = tpu.memref_slice %arg3[%dma_wait3A_272, %dma_wait3A_273] : memref<1015808x64xf32, #tpu.memory_space<hbm>> -> memref<1015808x64xf32, #tpu.memory_space<hbm>>
      tpu.wait_indirect_dma semaphore(%arg12 : memref<!tpu.dma_semaphore, #tpu.memory_space<semaphore_mem>>) src(%dma_wait3A_274 : memref<1015808x64xf32, #tpu.memory_space<hbm>>) dst(%dma_wait3A_268 : memref<100x64xf32, #tpu.memory_space<vmem>>)
      %scan3A_275 = arith.constant 0 : i32
      %scan3A_276 = arith.constant 20 : i32
      %scan3A_277 = arith.addi %scan3A_275, %scan3A_276 : i32
      %scan3A_278 = arith.constant 1 : i32
      %scan3A_279:4 = scf.for %scan3A_419 = %scan3A_275 to %scan3A_277 step %scan3A_278 iter_args(%scan3A_420 = %broadcast_in_dim3A_98, %scan3A_421 = %broadcast_in_dim3A_98, %scan3A_422 = %broadcast_in_dim3A_98, %scan3A_423 = %broadcast_in_dim3A_98) -> (vector<16xf32>, vector<16xf32>, vector<16xf32>, vector<16xf32>)  : i32 {
        %mul3A_424 = arith.constant 5 : i32
        %mul3A_425 = arith.muli %scan3A_419, %mul3A_424 : i32
        %add3A_426 = arith.constant 0 : i32
        %add3A_427 = arith.addi %mul3A_425, %add3A_426 : i32
        %get3A = arith.constant 4 : i32
        %get3A_428 = arith.index_cast %get3A : i32 to index
        %get3A_429 = arith.index_cast %add3A_427 : i32 to index
        %get3A_430 = arith.constant 0 : index
        %get3A_431 = tpu.vector_load %arg6[%get3A_428, %get3A_429, %get3A_430] {strides = array<i32>} : memref<8x100x64xf32, #tpu.memory_space<vmem>>, vector<1x1x16xf32>,
        %get3A_432 = vector.shape_cast %get3A_431 : vector<1x1x16xf32> to vector<16xf32>
        %add3A_433 = arith.addf %scan3A_420, %get3A_432 : vector<16xf32>
        %get3A_434 = arith.constant 4 : i32
        %get3A_435 = arith.index_cast %get3A_434 : i32 to index
        %get3A_436 = arith.index_cast %add3A_427 : i32 to index
        %get3A_437 = arith.constant 16 : index
        %get3A_438 = tpu.vector_load %arg6[%get3A_435, %get3A_436, %get3A_437] {strides = array<i32>} : memref<8x100x64xf32, #tpu.memory_space<vmem>>, vector<1x1x16xf32>,
        %get3A_439 = vector.shape_cast %get3A_438 : vector<1x1x16xf32> to vector<16xf32>
        %add3A_440 = arith.addf %scan3A_421, %get3A_439 : vector<16xf32>
        %get3A_441 = arith.constant 4 : i32
        %get3A_442 = arith.index_cast %get3A_441 : i32 to index
        %get3A_443 = arith.index_cast %add3A_427 : i32 to index
        %get3A_444 = arith.constant 32 : index
        %get3A_445 = tpu.vector_load %arg6[%get3A_442, %get3A_443, %get3A_444] {strides = array<i32>} : memref<8x100x64xf32, #tpu.memory_space<vmem>>, vector<1x1x16xf32>,
        %get3A_446 = vector.shape_cast %get3A_445 : vector<1x1x16xf32> to vector<16xf32>
        %add3A_447 = arith.addf %scan3A_422, %get3A_446 : vector<16xf32>
        %get3A_448 = arith.constant 4 : i32
        %get3A_449 = arith.index_cast %get3A_448 : i32 to index
        %get3A_450 = arith.index_cast %add3A_427 : i32 to index
        %get3A_451 = arith.constant 48 : index
        %get3A_452 = tpu.vector_load %arg6[%get3A_449, %get3A_450, %get3A_451] {strides = array<i32>} : memref<8x100x64xf32, #tpu.memory_space<vmem>>, vector<1x1x16xf32>,
        %get3A_453 = vector.shape_cast %get3A_452 : vector<1x1x16xf32> to vector<16xf32>
        %add3A_454 = arith.addf %scan3A_423, %get3A_453 : vector<16xf32>
        %add3A_455 = arith.constant 1 : i32
        %add3A_456 = arith.addi %mul3A_425, %add3A_455 : i32
        %get3A_457 = arith.constant 4 : i32
        %get3A_458 = arith.index_cast %get3A_457 : i32 to index
        %get3A_459 = arith.index_cast %add3A_456 : i32 to index
        %get3A_460 = arith.constant 0 : index
        %get3A_461 = tpu.vector_load %arg6[%get3A_458, %get3A_459, %get3A_460] {strides = array<i32>} : memref<8x100x64xf32, #tpu.memory_space<vmem>>, vector<1x1x16xf32>,
        %get3A_462 = vector.shape_cast %get3A_461 : vector<1x1x16xf32> to vector<16xf32>
        %add3A_463 = arith.addf %add3A_433, %get3A_462 : vector<16xf32>
        %get3A_464 = arith.constant 4 : i32
        %get3A_465 = arith.index_cast %get3A_464 : i32 to index
        %get3A_466 = arith.index_cast %add3A_456 : i32 to index
        %get3A_467 = arith.constant 16 : index
        %get3A_468 = tpu.vector_load %arg6[%get3A_465, %get3A_466, %get3A_467] {strides = array<i32>} : memref<8x100x64xf32, #tpu.memory_space<vmem>>, vector<1x1x16xf32>,
        %get3A_469 = vector.shape_cast %get3A_468 : vector<1x1x16xf32> to vector<16xf32>
        %add3A_470 = arith.addf %add3A_440, %get3A_469 : vector<16xf32>
        %get3A_471 = arith.constant 4 : i32
        %get3A_472 = arith.index_cast %get3A_471 : i32 to index
        %get3A_473 = arith.index_cast %add3A_456 : i32 to index
        %get3A_474 = arith.constant 32 : index
        %get3A_475 = tpu.vector_load %arg6[%get3A_472, %get3A_473, %get3A_474] {strides = array<i32>} : memref<8x100x64xf32, #tpu.memory_space<vmem>>, vector<1x1x16xf32>,
        %get3A_476 = vector.shape_cast %get3A_475 : vector<1x1x16xf32> to vector<16xf32>
        %add3A_477 = arith.addf %add3A_447, %get3A_476 : vector<16xf32>
        %get3A_478 = arith.constant 4 : i32
        %get3A_479 = arith.index_cast %get3A_478 : i32 to index
        %get3A_480 = arith.index_cast %add3A_456 : i32 to index
        %get3A_481 = arith.constant 48 : index
        %get3A_482 = tpu.vector_load %arg6[%get3A_479, %get3A_480, %get3A_481] {strides = array<i32>} : memref<8x100x64xf32, #tpu.memory_space<vmem>>, vector<1x1x16xf32>,
        %get3A_483 = vector.shape_cast %get3A_482 : vector<1x1x16xf32> to vector<16xf32>
        %add3A_484 = arith.addf %add3A_454, %get3A_483 : vector<16xf32>
        %add3A_485 = arith.constant 2 : i32
        %add3A_486 = arith.addi %mul3A_425, %add3A_485 : i32
        %get3A_487 = arith.constant 4 : i32
        %get3A_488 = arith.index_cast %get3A_487 : i32 to index
        %get3A_489 = arith.index_cast %add3A_486 : i32 to index
        %get3A_490 = arith.constant 0 : index
        %get3A_491 = tpu.vector_load %arg6[%get3A_488, %get3A_489, %get3A_490] {strides = array<i32>} : memref<8x100x64xf32, #tpu.memory_space<vmem>>, vector<1x1x16xf32>,
        %get3A_492 = vector.shape_cast %get3A_491 : vector<1x1x16xf32> to vector<16xf32>
        %add3A_493 = arith.addf %add3A_463, %get3A_492 : vector<16xf32>
        %get3A_494 = arith.constant 4 : i32
        %get3A_495 = arith.index_cast %get3A_494 : i32 to index
        %get3A_496 = arith.index_cast %add3A_486 : i32 to index
        %get3A_497 = arith.constant 16 : index
        %get3A_498 = tpu.vector_load %arg6[%get3A_495, %get3A_496, %get3A_497] {strides = array<i32>} : memref<8x100x64xf32, #tpu.memory_space<vmem>>, vector<1x1x16xf32>,
        %get3A_499 = vector.shape_cast %get3A_498 : vector<1x1x16xf32> to vector<16xf32>
        %add3A_500 = arith.addf %add3A_470, %get3A_499 : vector<16xf32>
        %get3A_501 = arith.constant 4 : i32
        %get3A_502 = arith.index_cast %get3A_501 : i32 to index
        %get3A_503 = arith.index_cast %add3A_486 : i32 to index
        %get3A_504 = arith.constant 32 : index
        %get3A_505 = tpu.vector_load %arg6[%get3A_502, %get3A_503, %get3A_504] {strides = array<i32>} : memref<8x100x64xf32, #tpu.memory_space<vmem>>, vector<1x1x16xf32>,
        %get3A_506 = vector.shape_cast %get3A_505 : vector<1x1x16xf32> to vector<16xf32>
        %add3A_507 = arith.addf %add3A_477, %get3A_506 : vector<16xf32>
        %get3A_508 = arith.constant 4 : i32
        %get3A_509 = arith.index_cast %get3A_508 : i32 to index
        %get3A_510 = arith.index_cast %add3A_486 : i32 to index
        %get3A_511 = arith.constant 48 : index
        %get3A_512 = tpu.vector_load %arg6[%get3A_509, %get3A_510, %get3A_511] {strides = array<i32>} : memref<8x100x64xf32, #tpu.memory_space<vmem>>, vector<1x1x16xf32>,
        %get3A_513 = vector.shape_cast %get3A_512 : vector<1x1x16xf32> to vector<16xf32>
        %add3A_514 = arith.addf %add3A_484, %get3A_513 : vector<16xf32>
        %add3A_515 = arith.constant 3 : i32
        %add3A_516 = arith.addi %mul3A_425, %add3A_515 : i32
        %get3A_517 = arith.constant 4 : i32
        %get3A_518 = arith.index_cast %get3A_517 : i32 to index
        %get3A_519 = arith.index_cast %add3A_516 : i32 to index
        %get3A_520 = arith.constant 0 : index
        %get3A_521 = tpu.vector_load %arg6[%get3A_518, %get3A_519, %get3A_520] {strides = array<i32>} : memref<8x100x64xf32, #tpu.memory_space<vmem>>, vector<1x1x16xf32>,
        %get3A_522 = vector.shape_cast %get3A_521 : vector<1x1x16xf32> to vector<16xf32>
        %add3A_523 = arith.addf %add3A_493, %get3A_522 : vector<16xf32>
        %get3A_524 = arith.constant 4 : i32
        %get3A_525 = arith.index_cast %get3A_524 : i32 to index
        %get3A_526 = arith.index_cast %add3A_516 : i32 to index
        %get3A_527 = arith.constant 16 : index
        %get3A_528 = tpu.vector_load %arg6[%get3A_525, %get3A_526, %get3A_527] {strides = array<i32>} : memref<8x100x64xf32, #tpu.memory_space<vmem>>, vector<1x1x16xf32>,
        %get3A_529 = vector.shape_cast %get3A_528 : vector<1x1x16xf32> to vector<16xf32>
        %add3A_530 = arith.addf %add3A_500, %get3A_529 : vector<16xf32>
        %get3A_531 = arith.constant 4 : i32
        %get3A_532 = arith.index_cast %get3A_531 : i32 to index
        %get3A_533 = arith.index_cast %add3A_516 : i32 to index
        %get3A_534 = arith.constant 32 : index
        %get3A_535 = tpu.vector_load %arg6[%get3A_532, %get3A_533, %get3A_534] {strides = array<i32>} : memref<8x100x64xf32, #tpu.memory_space<vmem>>, vector<1x1x16xf32>,
        %get3A_536 = vector.shape_cast %get3A_535 : vector<1x1x16xf32> to vector<16xf32>
        %add3A_537 = arith.addf %add3A_507, %get3A_536 : vector<16xf32>
        %get3A_538 = arith.constant 4 : i32
        %get3A_539 = arith.index_cast %get3A_538 : i32 to index
        %get3A_540 = arith.index_cast %add3A_516 : i32 to index
        %get3A_541 = arith.constant 48 : index
        %get3A_542 = tpu.vector_load %arg6[%get3A_539, %get3A_540, %get3A_541] {strides = array<i32>} : memref<8x100x64xf32, #tpu.memory_space<vmem>>, vector<1x1x16xf32>,
        %get3A_543 = vector.shape_cast %get3A_542 : vector<1x1x16xf32> to vector<16xf32>
        %add3A_544 = arith.addf %add3A_514, %get3A_543 : vector<16xf32>
        %add3A_545 = arith.constant 4 : i32
        %add3A_546 = arith.addi %mul3A_425, %add3A_545 : i32
        %get3A_547 = arith.constant 4 : i32
        %get3A_548 = arith.index_cast %get3A_547 : i32 to index
        %get3A_549 = arith.index_cast %add3A_546 : i32 to index
        %get3A_550 = arith.constant 0 : index
        %get3A_551 = tpu.vector_load %arg6[%get3A_548, %get3A_549, %get3A_550] {strides = array<i32>} : memref<8x100x64xf32, #tpu.memory_space<vmem>>, vector<1x1x16xf32>,
        %get3A_552 = vector.shape_cast %get3A_551 : vector<1x1x16xf32> to vector<16xf32>
        %add3A_553 = arith.addf %add3A_523, %get3A_552 : vector<16xf32>
        %get3A_554 = arith.constant 4 : i32
        %get3A_555 = arith.index_cast %get3A_554 : i32 to index
        %get3A_556 = arith.index_cast %add3A_546 : i32 to index
        %get3A_557 = arith.constant 16 : index
        %get3A_558 = tpu.vector_load %arg6[%get3A_555, %get3A_556, %get3A_557] {strides = array<i32>} : memref<8x100x64xf32, #tpu.memory_space<vmem>>, vector<1x1x16xf32>,
        %get3A_559 = vector.shape_cast %get3A_558 : vector<1x1x16xf32> to vector<16xf32>
        %add3A_560 = arith.addf %add3A_530, %get3A_559 : vector<16xf32>
        %get3A_561 = arith.constant 4 : i32
        %get3A_562 = arith.index_cast %get3A_561 : i32 to index
        %get3A_563 = arith.index_cast %add3A_546 : i32 to index
        %get3A_564 = arith.constant 32 : index
        %get3A_565 = tpu.vector_load %arg6[%get3A_562, %get3A_563, %get3A_564] {strides = array<i32>} : memref<8x100x64xf32, #tpu.memory_space<vmem>>, vector<1x1x16xf32>,
        %get3A_566 = vector.shape_cast %get3A_565 : vector<1x1x16xf32> to vector<16xf32>
        %add3A_567 = arith.addf %add3A_537, %get3A_566 : vector<16xf32>
        %get3A_568 = arith.constant 4 : i32
        %get3A_569 = arith.index_cast %get3A_568 : i32 to index
        %get3A_570 = arith.index_cast %add3A_546 : i32 to index
        %get3A_571 = arith.constant 48 : index
        %get3A_572 = tpu.vector_load %arg6[%get3A_569, %get3A_570, %get3A_571] {strides = array<i32>} : memref<8x100x64xf32, #tpu.memory_space<vmem>>, vector<1x1x16xf32>,
        %get3A_573 = vector.shape_cast %get3A_572 : vector<1x1x16xf32> to vector<16xf32>
        %add3A_574 = arith.addf %add3A_544, %get3A_573 : vector<16xf32>
        scf.yield %add3A_553, %add3A_560, %add3A_567, %add3A_574 : vector<16xf32>, vector<16xf32>, vector<16xf32>, vector<16xf32>
      }
      %scan3A_280 = arith.constant 20 : i32
      %add3A_281 = arith.constant 4 : i32
      %add3A_282 = arith.addi %mul3A_111, %add3A_281 : i32
      %add3A_283 = arith.constant 8 : i32
      %add3A_284 = arith.addi %add3A_282, %add3A_283 : i32
      %lt3A_285 = arith.constant 256 : i32
      %lt3A_286 = arith.cmpi slt, %add3A_284, %lt3A_285 : i32
      %convert_element_type3A_287 = arith.extui %lt3A_286 : i1 to i32
      %cond3A_288 = arith.constant 0 : i32
      %cond3A_289 = arith.cmpi ne, %convert_element_type3A_287, %cond3A_288 : i32
      scf.if %cond3A_289 {
        %add3A_419 = arith.constant 4 : i32
        %add3A_420 = arith.addi %mul3A_111, %add3A_419 : i32
        %add3A_421 = arith.constant 8 : i32
        %add3A_422 = arith.addi %add3A_420, %add3A_421 : i32
        %dma_start3A_423 = arith.constant 4 : i32
        %dma_start3A_424 = arith.constant 0 : i32
        %dma_start3A_425 = arith.constant 0 : i32
        %dma_start3A_426 = tpu.memref_slice %arg6[%dma_start3A_423, %dma_start3A_424, %dma_start3A_425] : memref<8x100x64xf32, #tpu.memory_space<vmem>> -> memref<1x100x64xf32, #tpu.memory_space<vmem>>
        %dma_start3A_427 = tpu.memref_squeeze %dma_start3A_426 : memref<1x100x64xf32, #tpu.memory_space<vmem>> -> memref<100x64xf32, #tpu.memory_space<vmem>>
        %dma_start3A_428 = arith.constant 0 : i32
        %dma_start3A_429 = tpu.memref_slice %arg5[%add3A_422, %dma_start3A_428] : memref<256x100xi32, #tpu.memory_space<vmem>> -> memref<1x100xi32, #tpu.memory_space<vmem>>
        %dma_start3A_430 = tpu.memref_squeeze %dma_start3A_429 : memref<1x100xi32, #tpu.memory_space<vmem>> -> memref<100xi32, #tpu.memory_space<vmem>>
        %dma_start3A_431 = arith.constant 0 : i32
        %dma_start3A_432 = arith.constant 0 : i32
        %dma_start3A_433 = tpu.memref_slice %arg3[%dma_start3A_431, %dma_start3A_432] : memref<1015808x64xf32, #tpu.memory_space<hbm>> -> memref<1015808x64xf32, #tpu.memory_space<hbm>>
        tpu.enqueue_indirect_dma source(%dma_start3A_433 : memref<1015808x64xf32, #tpu.memory_space<hbm>>) target(%dma_start3A_427 : memref<100x64xf32, #tpu.memory_space<vmem>>) offsets(%dma_start3A_430 : memref<100xi32, #tpu.memory_space<vmem>>) semaphore(%arg12 : memref<!tpu.dma_semaphore, #tpu.memory_space<semaphore_mem>>)
      } else {
      }
      %dma_wait3A_290 = arith.constant 0 : i32
      %dma_wait3A_291 = arith.constant 5 : i32
      %dma_wait3A_292 = arith.constant 0 : i32
      %dma_wait3A_293 = arith.constant 0 : i32
      %dma_wait3A_294 = tpu.memref_slice %arg6[%dma_wait3A_291, %dma_wait3A_292, %dma_wait3A_293] : memref<8x100x64xf32, #tpu.memory_space<vmem>> -> memref<1x100x64xf32, #tpu.memory_space<vmem>>
      %dma_wait3A_295 = tpu.memref_squeeze %dma_wait3A_294 : memref<1x100x64xf32, #tpu.memory_space<vmem>> -> memref<100x64xf32, #tpu.memory_space<vmem>>
      %dma_wait3A_296 = arith.constant 0 : i32
      %dma_wait3A_297 = tpu.memref_slice %arg5[%dma_wait3A_290, %dma_wait3A_296] : memref<256x100xi32, #tpu.memory_space<vmem>> -> memref<1x100xi32, #tpu.memory_space<vmem>>
      %dma_wait3A_298 = tpu.memref_squeeze %dma_wait3A_297 : memref<1x100xi32, #tpu.memory_space<vmem>> -> memref<100xi32, #tpu.memory_space<vmem>>
      %dma_wait3A_299 = arith.constant 0 : i32
      %dma_wait3A_300 = arith.constant 0 : i32
      %dma_wait3A_301 = tpu.memref_slice %arg3[%dma_wait3A_299, %dma_wait3A_300] : memref<1015808x64xf32, #tpu.memory_space<hbm>> -> memref<1015808x64xf32, #tpu.memory_space<hbm>>
      tpu.wait_indirect_dma semaphore(%arg13 : memref<!tpu.dma_semaphore, #tpu.memory_space<semaphore_mem>>) src(%dma_wait3A_301 : memref<1015808x64xf32, #tpu.memory_space<hbm>>) dst(%dma_wait3A_295 : memref<100x64xf32, #tpu.memory_space<vmem>>)
      %scan3A_302 = arith.constant 0 : i32
      %scan3A_303 = arith.constant 20 : i32
      %scan3A_304 = arith.addi %scan3A_302, %scan3A_303 : i32
      %scan3A_305 = arith.constant 1 : i32
      %scan3A_306:4 = scf.for %scan3A_419 = %scan3A_302 to %scan3A_304 step %scan3A_305 iter_args(%scan3A_420 = %scan3A_279#0, %scan3A_421 = %scan3A_279#1, %scan3A_422 = %scan3A_279#2, %scan3A_423 = %scan3A_279#3) -> (vector<16xf32>, vector<16xf32>, vector<16xf32>, vector<16xf32>)  : i32 {
        %mul3A_424 = arith.constant 5 : i32
        %mul3A_425 = arith.muli %scan3A_419, %mul3A_424 : i32
        %add3A_426 = arith.constant 0 : i32
        %add3A_427 = arith.addi %mul3A_425, %add3A_426 : i32
        %get3A = arith.constant 5 : i32
        %get3A_428 = arith.index_cast %get3A : i32 to index
        %get3A_429 = arith.index_cast %add3A_427 : i32 to index
        %get3A_430 = arith.constant 0 : index
        %get3A_431 = tpu.vector_load %arg6[%get3A_428, %get3A_429, %get3A_430] {strides = array<i32>} : memref<8x100x64xf32, #tpu.memory_space<vmem>>, vector<1x1x16xf32>,
        %get3A_432 = vector.shape_cast %get3A_431 : vector<1x1x16xf32> to vector<16xf32>
        %add3A_433 = arith.addf %scan3A_420, %get3A_432 : vector<16xf32>
        %get3A_434 = arith.constant 5 : i32
        %get3A_435 = arith.index_cast %get3A_434 : i32 to index
        %get3A_436 = arith.index_cast %add3A_427 : i32 to index
        %get3A_437 = arith.constant 16 : index
        %get3A_438 = tpu.vector_load %arg6[%get3A_435, %get3A_436, %get3A_437] {strides = array<i32>} : memref<8x100x64xf32, #tpu.memory_space<vmem>>, vector<1x1x16xf32>,
        %get3A_439 = vector.shape_cast %get3A_438 : vector<1x1x16xf32> to vector<16xf32>
        %add3A_440 = arith.addf %scan3A_421, %get3A_439 : vector<16xf32>
        %get3A_441 = arith.constant 5 : i32
        %get3A_442 = arith.index_cast %get3A_441 : i32 to index
        %get3A_443 = arith.index_cast %add3A_427 : i32 to index
        %get3A_444 = arith.constant 32 : index
        %get3A_445 = tpu.vector_load %arg6[%get3A_442, %get3A_443, %get3A_444] {strides = array<i32>} : memref<8x100x64xf32, #tpu.memory_space<vmem>>, vector<1x1x16xf32>,
        %get3A_446 = vector.shape_cast %get3A_445 : vector<1x1x16xf32> to vector<16xf32>
        %add3A_447 = arith.addf %scan3A_422, %get3A_446 : vector<16xf32>
        %get3A_448 = arith.constant 5 : i32
        %get3A_449 = arith.index_cast %get3A_448 : i32 to index
        %get3A_450 = arith.index_cast %add3A_427 : i32 to index
        %get3A_451 = arith.constant 48 : index
        %get3A_452 = tpu.vector_load %arg6[%get3A_449, %get3A_450, %get3A_451] {strides = array<i32>} : memref<8x100x64xf32, #tpu.memory_space<vmem>>, vector<1x1x16xf32>,
        %get3A_453 = vector.shape_cast %get3A_452 : vector<1x1x16xf32> to vector<16xf32>
        %add3A_454 = arith.addf %scan3A_423, %get3A_453 : vector<16xf32>
        %add3A_455 = arith.constant 1 : i32
        %add3A_456 = arith.addi %mul3A_425, %add3A_455 : i32
        %get3A_457 = arith.constant 5 : i32
        %get3A_458 = arith.index_cast %get3A_457 : i32 to index
        %get3A_459 = arith.index_cast %add3A_456 : i32 to index
        %get3A_460 = arith.constant 0 : index
        %get3A_461 = tpu.vector_load %arg6[%get3A_458, %get3A_459, %get3A_460] {strides = array<i32>} : memref<8x100x64xf32, #tpu.memory_space<vmem>>, vector<1x1x16xf32>,
        %get3A_462 = vector.shape_cast %get3A_461 : vector<1x1x16xf32> to vector<16xf32>
        %add3A_463 = arith.addf %add3A_433, %get3A_462 : vector<16xf32>
        %get3A_464 = arith.constant 5 : i32
        %get3A_465 = arith.index_cast %get3A_464 : i32 to index
        %get3A_466 = arith.index_cast %add3A_456 : i32 to index
        %get3A_467 = arith.constant 16 : index
        %get3A_468 = tpu.vector_load %arg6[%get3A_465, %get3A_466, %get3A_467] {strides = array<i32>} : memref<8x100x64xf32, #tpu.memory_space<vmem>>, vector<1x1x16xf32>,
        %get3A_469 = vector.shape_cast %get3A_468 : vector<1x1x16xf32> to vector<16xf32>
        %add3A_470 = arith.addf %add3A_440, %get3A_469 : vector<16xf32>
        %get3A_471 = arith.constant 5 : i32
        %get3A_472 = arith.index_cast %get3A_471 : i32 to index
        %get3A_473 = arith.index_cast %add3A_456 : i32 to index
        %get3A_474 = arith.constant 32 : index
        %get3A_475 = tpu.vector_load %arg6[%get3A_472, %get3A_473, %get3A_474] {strides = array<i32>} : memref<8x100x64xf32, #tpu.memory_space<vmem>>, vector<1x1x16xf32>,
        %get3A_476 = vector.shape_cast %get3A_475 : vector<1x1x16xf32> to vector<16xf32>
        %add3A_477 = arith.addf %add3A_447, %get3A_476 : vector<16xf32>
        %get3A_478 = arith.constant 5 : i32
        %get3A_479 = arith.index_cast %get3A_478 : i32 to index
        %get3A_480 = arith.index_cast %add3A_456 : i32 to index
        %get3A_481 = arith.constant 48 : index
        %get3A_482 = tpu.vector_load %arg6[%get3A_479, %get3A_480, %get3A_481] {strides = array<i32>} : memref<8x100x64xf32, #tpu.memory_space<vmem>>, vector<1x1x16xf32>,
        %get3A_483 = vector.shape_cast %get3A_482 : vector<1x1x16xf32> to vector<16xf32>
        %add3A_484 = arith.addf %add3A_454, %get3A_483 : vector<16xf32>
        %add3A_485 = arith.constant 2 : i32
        %add3A_486 = arith.addi %mul3A_425, %add3A_485 : i32
        %get3A_487 = arith.constant 5 : i32
        %get3A_488 = arith.index_cast %get3A_487 : i32 to index
        %get3A_489 = arith.index_cast %add3A_486 : i32 to index
        %get3A_490 = arith.constant 0 : index
        %get3A_491 = tpu.vector_load %arg6[%get3A_488, %get3A_489, %get3A_490] {strides = array<i32>} : memref<8x100x64xf32, #tpu.memory_space<vmem>>, vector<1x1x16xf32>,
        %get3A_492 = vector.shape_cast %get3A_491 : vector<1x1x16xf32> to vector<16xf32>
        %add3A_493 = arith.addf %add3A_463, %get3A_492 : vector<16xf32>
        %get3A_494 = arith.constant 5 : i32
        %get3A_495 = arith.index_cast %get3A_494 : i32 to index
        %get3A_496 = arith.index_cast %add3A_486 : i32 to index
        %get3A_497 = arith.constant 16 : index
        %get3A_498 = tpu.vector_load %arg6[%get3A_495, %get3A_496, %get3A_497] {strides = array<i32>} : memref<8x100x64xf32, #tpu.memory_space<vmem>>, vector<1x1x16xf32>,
        %get3A_499 = vector.shape_cast %get3A_498 : vector<1x1x16xf32> to vector<16xf32>
        %add3A_500 = arith.addf %add3A_470, %get3A_499 : vector<16xf32>
        %get3A_501 = arith.constant 5 : i32
        %get3A_502 = arith.index_cast %get3A_501 : i32 to index
        %get3A_503 = arith.index_cast %add3A_486 : i32 to index
        %get3A_504 = arith.constant 32 : index
        %get3A_505 = tpu.vector_load %arg6[%get3A_502, %get3A_503, %get3A_504] {strides = array<i32>} : memref<8x100x64xf32, #tpu.memory_space<vmem>>, vector<1x1x16xf32>,
        %get3A_506 = vector.shape_cast %get3A_505 : vector<1x1x16xf32> to vector<16xf32>
        %add3A_507 = arith.addf %add3A_477, %get3A_506 : vector<16xf32>
        %get3A_508 = arith.constant 5 : i32
        %get3A_509 = arith.index_cast %get3A_508 : i32 to index
        %get3A_510 = arith.index_cast %add3A_486 : i32 to index
        %get3A_511 = arith.constant 48 : index
        %get3A_512 = tpu.vector_load %arg6[%get3A_509, %get3A_510, %get3A_511] {strides = array<i32>} : memref<8x100x64xf32, #tpu.memory_space<vmem>>, vector<1x1x16xf32>,
        %get3A_513 = vector.shape_cast %get3A_512 : vector<1x1x16xf32> to vector<16xf32>
        %add3A_514 = arith.addf %add3A_484, %get3A_513 : vector<16xf32>
        %add3A_515 = arith.constant 3 : i32
        %add3A_516 = arith.addi %mul3A_425, %add3A_515 : i32
        %get3A_517 = arith.constant 5 : i32
        %get3A_518 = arith.index_cast %get3A_517 : i32 to index
        %get3A_519 = arith.index_cast %add3A_516 : i32 to index
        %get3A_520 = arith.constant 0 : index
        %get3A_521 = tpu.vector_load %arg6[%get3A_518, %get3A_519, %get3A_520] {strides = array<i32>} : memref<8x100x64xf32, #tpu.memory_space<vmem>>, vector<1x1x16xf32>,
        %get3A_522 = vector.shape_cast %get3A_521 : vector<1x1x16xf32> to vector<16xf32>
        %add3A_523 = arith.addf %add3A_493, %get3A_522 : vector<16xf32>
        %get3A_524 = arith.constant 5 : i32
        %get3A_525 = arith.index_cast %get3A_524 : i32 to index
        %get3A_526 = arith.index_cast %add3A_516 : i32 to index
        %get3A_527 = arith.constant 16 : index
        %get3A_528 = tpu.vector_load %arg6[%get3A_525, %get3A_526, %get3A_527] {strides = array<i32>} : memref<8x100x64xf32, #tpu.memory_space<vmem>>, vector<1x1x16xf32>,
        %get3A_529 = vector.shape_cast %get3A_528 : vector<1x1x16xf32> to vector<16xf32>
        %add3A_530 = arith.addf %add3A_500, %get3A_529 : vector<16xf32>
        %get3A_531 = arith.constant 5 : i32
        %get3A_532 = arith.index_cast %get3A_531 : i32 to index
        %get3A_533 = arith.index_cast %add3A_516 : i32 to index
        %get3A_534 = arith.constant 32 : index
        %get3A_535 = tpu.vector_load %arg6[%get3A_532, %get3A_533, %get3A_534] {strides = array<i32>} : memref<8x100x64xf32, #tpu.memory_space<vmem>>, vector<1x1x16xf32>,
        %get3A_536 = vector.shape_cast %get3A_535 : vector<1x1x16xf32> to vector<16xf32>
        %add3A_537 = arith.addf %add3A_507, %get3A_536 : vector<16xf32>
        %get3A_538 = arith.constant 5 : i32
        %get3A_539 = arith.index_cast %get3A_538 : i32 to index
        %get3A_540 = arith.index_cast %add3A_516 : i32 to index
        %get3A_541 = arith.constant 48 : index
        %get3A_542 = tpu.vector_load %arg6[%get3A_539, %get3A_540, %get3A_541] {strides = array<i32>} : memref<8x100x64xf32, #tpu.memory_space<vmem>>, vector<1x1x16xf32>,
        %get3A_543 = vector.shape_cast %get3A_542 : vector<1x1x16xf32> to vector<16xf32>
        %add3A_544 = arith.addf %add3A_514, %get3A_543 : vector<16xf32>
        %add3A_545 = arith.constant 4 : i32
        %add3A_546 = arith.addi %mul3A_425, %add3A_545 : i32
        %get3A_547 = arith.constant 5 : i32
        %get3A_548 = arith.index_cast %get3A_547 : i32 to index
        %get3A_549 = arith.index_cast %add3A_546 : i32 to index
        %get3A_550 = arith.constant 0 : index
        %get3A_551 = tpu.vector_load %arg6[%get3A_548, %get3A_549, %get3A_550] {strides = array<i32>} : memref<8x100x64xf32, #tpu.memory_space<vmem>>, vector<1x1x16xf32>,
        %get3A_552 = vector.shape_cast %get3A_551 : vector<1x1x16xf32> to vector<16xf32>
        %add3A_553 = arith.addf %add3A_523, %get3A_552 : vector<16xf32>
        %get3A_554 = arith.constant 5 : i32
        %get3A_555 = arith.index_cast %get3A_554 : i32 to index
        %get3A_556 = arith.index_cast %add3A_546 : i32 to index
        %get3A_557 = arith.constant 16 : index
        %get3A_558 = tpu.vector_load %arg6[%get3A_555, %get3A_556, %get3A_557] {strides = array<i32>} : memref<8x100x64xf32, #tpu.memory_space<vmem>>, vector<1x1x16xf32>,
        %get3A_559 = vector.shape_cast %get3A_558 : vector<1x1x16xf32> to vector<16xf32>
        %add3A_560 = arith.addf %add3A_530, %get3A_559 : vector<16xf32>
        %get3A_561 = arith.constant 5 : i32
        %get3A_562 = arith.index_cast %get3A_561 : i32 to index
        %get3A_563 = arith.index_cast %add3A_546 : i32 to index
        %get3A_564 = arith.constant 32 : index
        %get3A_565 = tpu.vector_load %arg6[%get3A_562, %get3A_563, %get3A_564] {strides = array<i32>} : memref<8x100x64xf32, #tpu.memory_space<vmem>>, vector<1x1x16xf32>,
        %get3A_566 = vector.shape_cast %get3A_565 : vector<1x1x16xf32> to vector<16xf32>
        %add3A_567 = arith.addf %add3A_537, %get3A_566 : vector<16xf32>
        %get3A_568 = arith.constant 5 : i32
        %get3A_569 = arith.index_cast %get3A_568 : i32 to index
        %get3A_570 = arith.index_cast %add3A_546 : i32 to index
        %get3A_571 = arith.constant 48 : index
        %get3A_572 = tpu.vector_load %arg6[%get3A_569, %get3A_570, %get3A_571] {strides = array<i32>} : memref<8x100x64xf32, #tpu.memory_space<vmem>>, vector<1x1x16xf32>,
        %get3A_573 = vector.shape_cast %get3A_572 : vector<1x1x16xf32> to vector<16xf32>
        %add3A_574 = arith.addf %add3A_544, %get3A_573 : vector<16xf32>
        scf.yield %add3A_553, %add3A_560, %add3A_567, %add3A_574 : vector<16xf32>, vector<16xf32>, vector<16xf32>, vector<16xf32>
      }
      %scan3A_307 = arith.constant 20 : i32
      %add3A_308 = arith.constant 5 : i32
      %add3A_309 = arith.addi %mul3A_111, %add3A_308 : i32
      %add3A_310 = arith.constant 8 : i32
      %add3A_311 = arith.addi %add3A_309, %add3A_310 : i32
      %lt3A_312 = arith.constant 256 : i32
      %lt3A_313 = arith.cmpi slt, %add3A_311, %lt3A_312 : i32
      %convert_element_type3A_314 = arith.extui %lt3A_313 : i1 to i32
      %cond3A_315 = arith.constant 0 : i32
      %cond3A_316 = arith.cmpi ne, %convert_element_type3A_314, %cond3A_315 : i32
      scf.if %cond3A_316 {
        %add3A_419 = arith.constant 5 : i32
        %add3A_420 = arith.addi %mul3A_111, %add3A_419 : i32
        %add3A_421 = arith.constant 8 : i32
        %add3A_422 = arith.addi %add3A_420, %add3A_421 : i32
        %dma_start3A_423 = arith.constant 5 : i32
        %dma_start3A_424 = arith.constant 0 : i32
        %dma_start3A_425 = arith.constant 0 : i32
        %dma_start3A_426 = tpu.memref_slice %arg6[%dma_start3A_423, %dma_start3A_424, %dma_start3A_425] : memref<8x100x64xf32, #tpu.memory_space<vmem>> -> memref<1x100x64xf32, #tpu.memory_space<vmem>>
        %dma_start3A_427 = tpu.memref_squeeze %dma_start3A_426 : memref<1x100x64xf32, #tpu.memory_space<vmem>> -> memref<100x64xf32, #tpu.memory_space<vmem>>
        %dma_start3A_428 = arith.constant 0 : i32
        %dma_start3A_429 = tpu.memref_slice %arg5[%add3A_422, %dma_start3A_428] : memref<256x100xi32, #tpu.memory_space<vmem>> -> memref<1x100xi32, #tpu.memory_space<vmem>>
        %dma_start3A_430 = tpu.memref_squeeze %dma_start3A_429 : memref<1x100xi32, #tpu.memory_space<vmem>> -> memref<100xi32, #tpu.memory_space<vmem>>
        %dma_start3A_431 = arith.constant 0 : i32
        %dma_start3A_432 = arith.constant 0 : i32
        %dma_start3A_433 = tpu.memref_slice %arg3[%dma_start3A_431, %dma_start3A_432] : memref<1015808x64xf32, #tpu.memory_space<hbm>> -> memref<1015808x64xf32, #tpu.memory_space<hbm>>
        tpu.enqueue_indirect_dma source(%dma_start3A_433 : memref<1015808x64xf32, #tpu.memory_space<hbm>>) target(%dma_start3A_427 : memref<100x64xf32, #tpu.memory_space<vmem>>) offsets(%dma_start3A_430 : memref<100xi32, #tpu.memory_space<vmem>>) semaphore(%arg13 : memref<!tpu.dma_semaphore, #tpu.memory_space<semaphore_mem>>)
      } else {
      }
      %mul3A_317 = arith.constant 4 : i32
      %mul3A_318 = arith.muli %mul3A_317, %add3A_109 : i32
      %add3A_319 = arith.constant 2 : i32
      %add3A_320 = arith.addi %mul3A_318, %add3A_319 : i32
      %swap3A_321 = arith.index_cast %add3A_320 : i32 to index
      %swap3A_322 = arith.constant 0 : index
      %swap3A_323 = tpu.vector_load %arg7[%swap3A_321, %swap3A_322] {strides = array<i32>} : memref<128x64xf32, #tpu.memory_space<vmem>>, vector<1x16xf32>,
      %swap3A_324 = vector.shape_cast %swap3A_323 : vector<1x16xf32> to vector<16xf32>
      %swap3A_325 = vector.shape_cast %scan3A_306#0 : vector<16xf32> to vector<1x16xf32>
      tpu.vector_store %arg7[%swap3A_321, %swap3A_322], %swap3A_325 {strides = array<i32>} : memref<128x64xf32, #tpu.memory_space<vmem>>, vector<1x16xf32>,
      %swap3A_326 = arith.index_cast %add3A_320 : i32 to index
      %swap3A_327 = arith.constant 16 : index
      %swap3A_328 = tpu.vector_load %arg7[%swap3A_326, %swap3A_327] {strides = array<i32>} : memref<128x64xf32, #tpu.memory_space<vmem>>, vector<1x16xf32>,
      %swap3A_329 = vector.shape_cast %swap3A_328 : vector<1x16xf32> to vector<16xf32>
      %swap3A_330 = vector.shape_cast %scan3A_306#1 : vector<16xf32> to vector<1x16xf32>
      tpu.vector_store %arg7[%swap3A_326, %swap3A_327], %swap3A_330 {strides = array<i32>} : memref<128x64xf32, #tpu.memory_space<vmem>>, vector<1x16xf32>,
      %swap3A_331 = arith.index_cast %add3A_320 : i32 to index
      %swap3A_332 = arith.constant 32 : index
      %swap3A_333 = tpu.vector_load %arg7[%swap3A_331, %swap3A_332] {strides = array<i32>} : memref<128x64xf32, #tpu.memory_space<vmem>>, vector<1x16xf32>,
      %swap3A_334 = vector.shape_cast %swap3A_333 : vector<1x16xf32> to vector<16xf32>
      %swap3A_335 = vector.shape_cast %scan3A_306#2 : vector<16xf32> to vector<1x16xf32>
      tpu.vector_store %arg7[%swap3A_331, %swap3A_332], %swap3A_335 {strides = array<i32>} : memref<128x64xf32, #tpu.memory_space<vmem>>, vector<1x16xf32>,
      %swap3A_336 = arith.index_cast %add3A_320 : i32 to index
      %swap3A_337 = arith.constant 48 : index
      %swap3A_338 = tpu.vector_load %arg7[%swap3A_336, %swap3A_337] {strides = array<i32>} : memref<128x64xf32, #tpu.memory_space<vmem>>, vector<1x16xf32>,
      %swap3A_339 = vector.shape_cast %swap3A_338 : vector<1x16xf32> to vector<16xf32>
      %swap3A_340 = vector.shape_cast %scan3A_306#3 : vector<16xf32> to vector<1x16xf32>
      tpu.vector_store %arg7[%swap3A_336, %swap3A_337], %swap3A_340 {strides = array<i32>} : memref<128x64xf32, #tpu.memory_space<vmem>>, vector<1x16xf32>,
      %dma_wait3A_341 = arith.constant 0 : i32
      %dma_wait3A_342 = arith.constant 6 : i32
      %dma_wait3A_343 = arith.constant 0 : i32
      %dma_wait3A_344 = arith.constant 0 : i32
      %dma_wait3A_345 = tpu.memref_slice %arg6[%dma_wait3A_342, %dma_wait3A_343, %dma_wait3A_344] : memref<8x100x64xf32, #tpu.memory_space<vmem>> -> memref<1x100x64xf32, #tpu.memory_space<vmem>>
      %dma_wait3A_346 = tpu.memref_squeeze %dma_wait3A_345 : memref<1x100x64xf32, #tpu.memory_space<vmem>> -> memref<100x64xf32, #tpu.memory_space<vmem>>
      %dma_wait3A_347 = arith.constant 0 : i32
      %dma_wait3A_348 = tpu.memref_slice %arg5[%dma_wait3A_341, %dma_wait3A_347] : memref<256x100xi32, #tpu.memory_space<vmem>> -> memref<1x100xi32, #tpu.memory_space<vmem>>
      %dma_wait3A_349 = tpu.memref_squeeze %dma_wait3A_348 : memref<1x100xi32, #tpu.memory_space<vmem>> -> memref<100xi32, #tpu.memory_space<vmem>>
      %dma_wait3A_350 = arith.constant 0 : i32
      %dma_wait3A_351 = arith.constant 0 : i32
      %dma_wait3A_352 = tpu.memref_slice %arg3[%dma_wait3A_350, %dma_wait3A_351] : memref<1015808x64xf32, #tpu.memory_space<hbm>> -> memref<1015808x64xf32, #tpu.memory_space<hbm>>
      tpu.wait_indirect_dma semaphore(%arg14 : memref<!tpu.dma_semaphore, #tpu.memory_space<semaphore_mem>>) src(%dma_wait3A_352 : memref<1015808x64xf32, #tpu.memory_space<hbm>>) dst(%dma_wait3A_346 : memref<100x64xf32, #tpu.memory_space<vmem>>)
      %scan3A_353 = arith.constant 0 : i32
      %scan3A_354 = arith.constant 20 : i32
      %scan3A_355 = arith.addi %scan3A_353, %scan3A_354 : i32
      %scan3A_356 = arith.constant 1 : i32
      %scan3A_357:4 = scf.for %scan3A_419 = %scan3A_353 to %scan3A_355 step %scan3A_356 iter_args(%scan3A_420 = %broadcast_in_dim3A_98, %scan3A_421 = %broadcast_in_dim3A_98, %scan3A_422 = %broadcast_in_dim3A_98, %scan3A_423 = %broadcast_in_dim3A_98) -> (vector<16xf32>, vector<16xf32>, vector<16xf32>, vector<16xf32>)  : i32 {
        %mul3A_424 = arith.constant 5 : i32
        %mul3A_425 = arith.muli %scan3A_419, %mul3A_424 : i32
        %add3A_426 = arith.constant 0 : i32
        %add3A_427 = arith.addi %mul3A_425, %add3A_426 : i32
        %get3A = arith.constant 6 : i32
        %get3A_428 = arith.index_cast %get3A : i32 to index
        %get3A_429 = arith.index_cast %add3A_427 : i32 to index
        %get3A_430 = arith.constant 0 : index
        %get3A_431 = tpu.vector_load %arg6[%get3A_428, %get3A_429, %get3A_430] {strides = array<i32>} : memref<8x100x64xf32, #tpu.memory_space<vmem>>, vector<1x1x16xf32>,
        %get3A_432 = vector.shape_cast %get3A_431 : vector<1x1x16xf32> to vector<16xf32>
        %add3A_433 = arith.addf %scan3A_420, %get3A_432 : vector<16xf32>
        %get3A_434 = arith.constant 6 : i32
        %get3A_435 = arith.index_cast %get3A_434 : i32 to index
        %get3A_436 = arith.index_cast %add3A_427 : i32 to index
        %get3A_437 = arith.constant 16 : index
        %get3A_438 = tpu.vector_load %arg6[%get3A_435, %get3A_436, %get3A_437] {strides = array<i32>} : memref<8x100x64xf32, #tpu.memory_space<vmem>>, vector<1x1x16xf32>,
        %get3A_439 = vector.shape_cast %get3A_438 : vector<1x1x16xf32> to vector<16xf32>
        %add3A_440 = arith.addf %scan3A_421, %get3A_439 : vector<16xf32>
        %get3A_441 = arith.constant 6 : i32
        %get3A_442 = arith.index_cast %get3A_441 : i32 to index
        %get3A_443 = arith.index_cast %add3A_427 : i32 to index
        %get3A_444 = arith.constant 32 : index
        %get3A_445 = tpu.vector_load %arg6[%get3A_442, %get3A_443, %get3A_444] {strides = array<i32>} : memref<8x100x64xf32, #tpu.memory_space<vmem>>, vector<1x1x16xf32>,
        %get3A_446 = vector.shape_cast %get3A_445 : vector<1x1x16xf32> to vector<16xf32>
        %add3A_447 = arith.addf %scan3A_422, %get3A_446 : vector<16xf32>
        %get3A_448 = arith.constant 6 : i32
        %get3A_449 = arith.index_cast %get3A_448 : i32 to index
        %get3A_450 = arith.index_cast %add3A_427 : i32 to index
        %get3A_451 = arith.constant 48 : index
        %get3A_452 = tpu.vector_load %arg6[%get3A_449, %get3A_450, %get3A_451] {strides = array<i32>} : memref<8x100x64xf32, #tpu.memory_space<vmem>>, vector<1x1x16xf32>,
        %get3A_453 = vector.shape_cast %get3A_452 : vector<1x1x16xf32> to vector<16xf32>
        %add3A_454 = arith.addf %scan3A_423, %get3A_453 : vector<16xf32>
        %add3A_455 = arith.constant 1 : i32
        %add3A_456 = arith.addi %mul3A_425, %add3A_455 : i32
        %get3A_457 = arith.constant 6 : i32
        %get3A_458 = arith.index_cast %get3A_457 : i32 to index
        %get3A_459 = arith.index_cast %add3A_456 : i32 to index
        %get3A_460 = arith.constant 0 : index
        %get3A_461 = tpu.vector_load %arg6[%get3A_458, %get3A_459, %get3A_460] {strides = array<i32>} : memref<8x100x64xf32, #tpu.memory_space<vmem>>, vector<1x1x16xf32>,
        %get3A_462 = vector.shape_cast %get3A_461 : vector<1x1x16xf32> to vector<16xf32>
        %add3A_463 = arith.addf %add3A_433, %get3A_462 : vector<16xf32>
        %get3A_464 = arith.constant 6 : i32
        %get3A_465 = arith.index_cast %get3A_464 : i32 to index
        %get3A_466 = arith.index_cast %add3A_456 : i32 to index
        %get3A_467 = arith.constant 16 : index
        %get3A_468 = tpu.vector_load %arg6[%get3A_465, %get3A_466, %get3A_467] {strides = array<i32>} : memref<8x100x64xf32, #tpu.memory_space<vmem>>, vector<1x1x16xf32>,
        %get3A_469 = vector.shape_cast %get3A_468 : vector<1x1x16xf32> to vector<16xf32>
        %add3A_470 = arith.addf %add3A_440, %get3A_469 : vector<16xf32>
        %get3A_471 = arith.constant 6 : i32
        %get3A_472 = arith.index_cast %get3A_471 : i32 to index
        %get3A_473 = arith.index_cast %add3A_456 : i32 to index
        %get3A_474 = arith.constant 32 : index
        %get3A_475 = tpu.vector_load %arg6[%get3A_472, %get3A_473, %get3A_474] {strides = array<i32>} : memref<8x100x64xf32, #tpu.memory_space<vmem>>, vector<1x1x16xf32>,
        %get3A_476 = vector.shape_cast %get3A_475 : vector<1x1x16xf32> to vector<16xf32>
        %add3A_477 = arith.addf %add3A_447, %get3A_476 : vector<16xf32>
        %get3A_478 = arith.constant 6 : i32
        %get3A_479 = arith.index_cast %get3A_478 : i32 to index
        %get3A_480 = arith.index_cast %add3A_456 : i32 to index
        %get3A_481 = arith.constant 48 : index
        %get3A_482 = tpu.vector_load %arg6[%get3A_479, %get3A_480, %get3A_481] {strides = array<i32>} : memref<8x100x64xf32, #tpu.memory_space<vmem>>, vector<1x1x16xf32>,
        %get3A_483 = vector.shape_cast %get3A_482 : vector<1x1x16xf32> to vector<16xf32>
        %add3A_484 = arith.addf %add3A_454, %get3A_483 : vector<16xf32>
        %add3A_485 = arith.constant 2 : i32
        %add3A_486 = arith.addi %mul3A_425, %add3A_485 : i32
        %get3A_487 = arith.constant 6 : i32
        %get3A_488 = arith.index_cast %get3A_487 : i32 to index
        %get3A_489 = arith.index_cast %add3A_486 : i32 to index
        %get3A_490 = arith.constant 0 : index
        %get3A_491 = tpu.vector_load %arg6[%get3A_488, %get3A_489, %get3A_490] {strides = array<i32>} : memref<8x100x64xf32, #tpu.memory_space<vmem>>, vector<1x1x16xf32>,
        %get3A_492 = vector.shape_cast %get3A_491 : vector<1x1x16xf32> to vector<16xf32>
        %add3A_493 = arith.addf %add3A_463, %get3A_492 : vector<16xf32>
        %get3A_494 = arith.constant 6 : i32
        %get3A_495 = arith.index_cast %get3A_494 : i32 to index
        %get3A_496 = arith.index_cast %add3A_486 : i32 to index
        %get3A_497 = arith.constant 16 : index
        %get3A_498 = tpu.vector_load %arg6[%get3A_495, %get3A_496, %get3A_497] {strides = array<i32>} : memref<8x100x64xf32, #tpu.memory_space<vmem>>, vector<1x1x16xf32>,
        %get3A_499 = vector.shape_cast %get3A_498 : vector<1x1x16xf32> to vector<16xf32>
        %add3A_500 = arith.addf %add3A_470, %get3A_499 : vector<16xf32>
        %get3A_501 = arith.constant 6 : i32
        %get3A_502 = arith.index_cast %get3A_501 : i32 to index
        %get3A_503 = arith.index_cast %add3A_486 : i32 to index
        %get3A_504 = arith.constant 32 : index
        %get3A_505 = tpu.vector_load %arg6[%get3A_502, %get3A_503, %get3A_504] {strides = array<i32>} : memref<8x100x64xf32, #tpu.memory_space<vmem>>, vector<1x1x16xf32>,
        %get3A_506 = vector.shape_cast %get3A_505 : vector<1x1x16xf32> to vector<16xf32>
        %add3A_507 = arith.addf %add3A_477, %get3A_506 : vector<16xf32>
        %get3A_508 = arith.constant 6 : i32
        %get3A_509 = arith.index_cast %get3A_508 : i32 to index
        %get3A_510 = arith.index_cast %add3A_486 : i32 to index
        %get3A_511 = arith.constant 48 : index
        %get3A_512 = tpu.vector_load %arg6[%get3A_509, %get3A_510, %get3A_511] {strides = array<i32>} : memref<8x100x64xf32, #tpu.memory_space<vmem>>, vector<1x1x16xf32>,
        %get3A_513 = vector.shape_cast %get3A_512 : vector<1x1x16xf32> to vector<16xf32>
        %add3A_514 = arith.addf %add3A_484, %get3A_513 : vector<16xf32>
        %add3A_515 = arith.constant 3 : i32
        %add3A_516 = arith.addi %mul3A_425, %add3A_515 : i32
        %get3A_517 = arith.constant 6 : i32
        %get3A_518 = arith.index_cast %get3A_517 : i32 to index
        %get3A_519 = arith.index_cast %add3A_516 : i32 to index
        %get3A_520 = arith.constant 0 : index
        %get3A_521 = tpu.vector_load %arg6[%get3A_518, %get3A_519, %get3A_520] {strides = array<i32>} : memref<8x100x64xf32, #tpu.memory_space<vmem>>, vector<1x1x16xf32>,
        %get3A_522 = vector.shape_cast %get3A_521 : vector<1x1x16xf32> to vector<16xf32>
        %add3A_523 = arith.addf %add3A_493, %get3A_522 : vector<16xf32>
        %get3A_524 = arith.constant 6 : i32
        %get3A_525 = arith.index_cast %get3A_524 : i32 to index
        %get3A_526 = arith.index_cast %add3A_516 : i32 to index
        %get3A_527 = arith.constant 16 : index
        %get3A_528 = tpu.vector_load %arg6[%get3A_525, %get3A_526, %get3A_527] {strides = array<i32>} : memref<8x100x64xf32, #tpu.memory_space<vmem>>, vector<1x1x16xf32>,
        %get3A_529 = vector.shape_cast %get3A_528 : vector<1x1x16xf32> to vector<16xf32>
        %add3A_530 = arith.addf %add3A_500, %get3A_529 : vector<16xf32>
        %get3A_531 = arith.constant 6 : i32
        %get3A_532 = arith.index_cast %get3A_531 : i32 to index
        %get3A_533 = arith.index_cast %add3A_516 : i32 to index
        %get3A_534 = arith.constant 32 : index
        %get3A_535 = tpu.vector_load %arg6[%get3A_532, %get3A_533, %get3A_534] {strides = array<i32>} : memref<8x100x64xf32, #tpu.memory_space<vmem>>, vector<1x1x16xf32>,
        %get3A_536 = vector.shape_cast %get3A_535 : vector<1x1x16xf32> to vector<16xf32>
        %add3A_537 = arith.addf %add3A_507, %get3A_536 : vector<16xf32>
        %get3A_538 = arith.constant 6 : i32
        %get3A_539 = arith.index_cast %get3A_538 : i32 to index
        %get3A_540 = arith.index_cast %add3A_516 : i32 to index
        %get3A_541 = arith.constant 48 : index
        %get3A_542 = tpu.vector_load %arg6[%get3A_539, %get3A_540, %get3A_541] {strides = array<i32>} : memref<8x100x64xf32, #tpu.memory_space<vmem>>, vector<1x1x16xf32>,
        %get3A_543 = vector.shape_cast %get3A_542 : vector<1x1x16xf32> to vector<16xf32>
        %add3A_544 = arith.addf %add3A_514, %get3A_543 : vector<16xf32>
        %add3A_545 = arith.constant 4 : i32
        %add3A_546 = arith.addi %mul3A_425, %add3A_545 : i32
        %get3A_547 = arith.constant 6 : i32
        %get3A_548 = arith.index_cast %get3A_547 : i32 to index
        %get3A_549 = arith.index_cast %add3A_546 : i32 to index
        %get3A_550 = arith.constant 0 : index
        %get3A_551 = tpu.vector_load %arg6[%get3A_548, %get3A_549, %get3A_550] {strides = array<i32>} : memref<8x100x64xf32, #tpu.memory_space<vmem>>, vector<1x1x16xf32>,
        %get3A_552 = vector.shape_cast %get3A_551 : vector<1x1x16xf32> to vector<16xf32>
        %add3A_553 = arith.addf %add3A_523, %get3A_552 : vector<16xf32>
        %get3A_554 = arith.constant 6 : i32
        %get3A_555 = arith.index_cast %get3A_554 : i32 to index
        %get3A_556 = arith.index_cast %add3A_546 : i32 to index
        %get3A_557 = arith.constant 16 : index
        %get3A_558 = tpu.vector_load %arg6[%get3A_555, %get3A_556, %get3A_557] {strides = array<i32>} : memref<8x100x64xf32, #tpu.memory_space<vmem>>, vector<1x1x16xf32>,
        %get3A_559 = vector.shape_cast %get3A_558 : vector<1x1x16xf32> to vector<16xf32>
        %add3A_560 = arith.addf %add3A_530, %get3A_559 : vector<16xf32>
        %get3A_561 = arith.constant 6 : i32
        %get3A_562 = arith.index_cast %get3A_561 : i32 to index
        %get3A_563 = arith.index_cast %add3A_546 : i32 to index
        %get3A_564 = arith.constant 32 : index
        %get3A_565 = tpu.vector_load %arg6[%get3A_562, %get3A_563, %get3A_564] {strides = array<i32>} : memref<8x100x64xf32, #tpu.memory_space<vmem>>, vector<1x1x16xf32>,
        %get3A_566 = vector.shape_cast %get3A_565 : vector<1x1x16xf32> to vector<16xf32>
        %add3A_567 = arith.addf %add3A_537, %get3A_566 : vector<16xf32>
        %get3A_568 = arith.constant 6 : i32
        %get3A_569 = arith.index_cast %get3A_568 : i32 to index
        %get3A_570 = arith.index_cast %add3A_546 : i32 to index
        %get3A_571 = arith.constant 48 : index
        %get3A_572 = tpu.vector_load %arg6[%get3A_569, %get3A_570, %get3A_571] {strides = array<i32>} : memref<8x100x64xf32, #tpu.memory_space<vmem>>, vector<1x1x16xf32>,
        %get3A_573 = vector.shape_cast %get3A_572 : vector<1x1x16xf32> to vector<16xf32>
        %add3A_574 = arith.addf %add3A_544, %get3A_573 : vector<16xf32>
        scf.yield %add3A_553, %add3A_560, %add3A_567, %add3A_574 : vector<16xf32>, vector<16xf32>, vector<16xf32>, vector<16xf32>
      }
      %scan3A_358 = arith.constant 20 : i32
      %add3A_359 = arith.constant 6 : i32
      %add3A_360 = arith.addi %mul3A_111, %add3A_359 : i32
      %add3A_361 = arith.constant 8 : i32
      %add3A_362 = arith.addi %add3A_360, %add3A_361 : i32
      %lt3A_363 = arith.constant 256 : i32
      %lt3A_364 = arith.cmpi slt, %add3A_362, %lt3A_363 : i32
      %convert_element_type3A_365 = arith.extui %lt3A_364 : i1 to i32
      %cond3A_366 = arith.constant 0 : i32
      %cond3A_367 = arith.cmpi ne, %convert_element_type3A_365, %cond3A_366 : i32
      scf.if %cond3A_367 {
        %add3A_419 = arith.constant 6 : i32
        %add3A_420 = arith.addi %mul3A_111, %add3A_419 : i32
        %add3A_421 = arith.constant 8 : i32
        %add3A_422 = arith.addi %add3A_420, %add3A_421 : i32
        %dma_start3A_423 = arith.constant 6 : i32
        %dma_start3A_424 = arith.constant 0 : i32
        %dma_start3A_425 = arith.constant 0 : i32
        %dma_start3A_426 = tpu.memref_slice %arg6[%dma_start3A_423, %dma_start3A_424, %dma_start3A_425] : memref<8x100x64xf32, #tpu.memory_space<vmem>> -> memref<1x100x64xf32, #tpu.memory_space<vmem>>
        %dma_start3A_427 = tpu.memref_squeeze %dma_start3A_426 : memref<1x100x64xf32, #tpu.memory_space<vmem>> -> memref<100x64xf32, #tpu.memory_space<vmem>>
        %dma_start3A_428 = arith.constant 0 : i32
        %dma_start3A_429 = tpu.memref_slice %arg5[%add3A_422, %dma_start3A_428] : memref<256x100xi32, #tpu.memory_space<vmem>> -> memref<1x100xi32, #tpu.memory_space<vmem>>
        %dma_start3A_430 = tpu.memref_squeeze %dma_start3A_429 : memref<1x100xi32, #tpu.memory_space<vmem>> -> memref<100xi32, #tpu.memory_space<vmem>>
        %dma_start3A_431 = arith.constant 0 : i32
        %dma_start3A_432 = arith.constant 0 : i32
        %dma_start3A_433 = tpu.memref_slice %arg3[%dma_start3A_431, %dma_start3A_432] : memref<1015808x64xf32, #tpu.memory_space<hbm>> -> memref<1015808x64xf32, #tpu.memory_space<hbm>>
        tpu.enqueue_indirect_dma source(%dma_start3A_433 : memref<1015808x64xf32, #tpu.memory_space<hbm>>) target(%dma_start3A_427 : memref<100x64xf32, #tpu.memory_space<vmem>>) offsets(%dma_start3A_430 : memref<100xi32, #tpu.memory_space<vmem>>) semaphore(%arg14 : memref<!tpu.dma_semaphore, #tpu.memory_space<semaphore_mem>>)
      } else {
      }
      %dma_wait3A_368 = arith.constant 0 : i32
      %dma_wait3A_369 = arith.constant 7 : i32
      %dma_wait3A_370 = arith.constant 0 : i32
      %dma_wait3A_371 = arith.constant 0 : i32
      %dma_wait3A_372 = tpu.memref_slice %arg6[%dma_wait3A_369, %dma_wait3A_370, %dma_wait3A_371] : memref<8x100x64xf32, #tpu.memory_space<vmem>> -> memref<1x100x64xf32, #tpu.memory_space<vmem>>
      %dma_wait3A_373 = tpu.memref_squeeze %dma_wait3A_372 : memref<1x100x64xf32, #tpu.memory_space<vmem>> -> memref<100x64xf32, #tpu.memory_space<vmem>>
      %dma_wait3A_374 = arith.constant 0 : i32
      %dma_wait3A_375 = tpu.memref_slice %arg5[%dma_wait3A_368, %dma_wait3A_374] : memref<256x100xi32, #tpu.memory_space<vmem>> -> memref<1x100xi32, #tpu.memory_space<vmem>>
      %dma_wait3A_376 = tpu.memref_squeeze %dma_wait3A_375 : memref<1x100xi32, #tpu.memory_space<vmem>> -> memref<100xi32, #tpu.memory_space<vmem>>
      %dma_wait3A_377 = arith.constant 0 : i32
      %dma_wait3A_378 = arith.constant 0 : i32
      %dma_wait3A_379 = tpu.memref_slice %arg3[%dma_wait3A_377, %dma_wait3A_378] : memref<1015808x64xf32, #tpu.memory_space<hbm>> -> memref<1015808x64xf32, #tpu.memory_space<hbm>>
      tpu.wait_indirect_dma semaphore(%arg15 : memref<!tpu.dma_semaphore, #tpu.memory_space<semaphore_mem>>) src(%dma_wait3A_379 : memref<1015808x64xf32, #tpu.memory_space<hbm>>) dst(%dma_wait3A_373 : memref<100x64xf32, #tpu.memory_space<vmem>>)
      %scan3A_380 = arith.constant 0 : i32
      %scan3A_381 = arith.constant 20 : i32
      %scan3A_382 = arith.addi %scan3A_380, %scan3A_381 : i32
      %scan3A_383 = arith.constant 1 : i32
      %scan3A_384:4 = scf.for %scan3A_419 = %scan3A_380 to %scan3A_382 step %scan3A_383 iter_args(%scan3A_420 = %scan3A_357#0, %scan3A_421 = %scan3A_357#1, %scan3A_422 = %scan3A_357#2, %scan3A_423 = %scan3A_357#3) -> (vector<16xf32>, vector<16xf32>, vector<16xf32>, vector<16xf32>)  : i32 {
        %mul3A_424 = arith.constant 5 : i32
        %mul3A_425 = arith.muli %scan3A_419, %mul3A_424 : i32
        %add3A_426 = arith.constant 0 : i32
        %add3A_427 = arith.addi %mul3A_425, %add3A_426 : i32
        %get3A = arith.constant 7 : i32
        %get3A_428 = arith.index_cast %get3A : i32 to index
        %get3A_429 = arith.index_cast %add3A_427 : i32 to index
        %get3A_430 = arith.constant 0 : index
        %get3A_431 = tpu.vector_load %arg6[%get3A_428, %get3A_429, %get3A_430] {strides = array<i32>} : memref<8x100x64xf32, #tpu.memory_space<vmem>>, vector<1x1x16xf32>,
        %get3A_432 = vector.shape_cast %get3A_431 : vector<1x1x16xf32> to vector<16xf32>
        %add3A_433 = arith.addf %scan3A_420, %get3A_432 : vector<16xf32>
        %get3A_434 = arith.constant 7 : i32
        %get3A_435 = arith.index_cast %get3A_434 : i32 to index
        %get3A_436 = arith.index_cast %add3A_427 : i32 to index
        %get3A_437 = arith.constant 16 : index
        %get3A_438 = tpu.vector_load %arg6[%get3A_435, %get3A_436, %get3A_437] {strides = array<i32>} : memref<8x100x64xf32, #tpu.memory_space<vmem>>, vector<1x1x16xf32>,
        %get3A_439 = vector.shape_cast %get3A_438 : vector<1x1x16xf32> to vector<16xf32>
        %add3A_440 = arith.addf %scan3A_421, %get3A_439 : vector<16xf32>
        %get3A_441 = arith.constant 7 : i32
        %get3A_442 = arith.index_cast %get3A_441 : i32 to index
        %get3A_443 = arith.index_cast %add3A_427 : i32 to index
        %get3A_444 = arith.constant 32 : index
        %get3A_445 = tpu.vector_load %arg6[%get3A_442, %get3A_443, %get3A_444] {strides = array<i32>} : memref<8x100x64xf32, #tpu.memory_space<vmem>>, vector<1x1x16xf32>,
        %get3A_446 = vector.shape_cast %get3A_445 : vector<1x1x16xf32> to vector<16xf32>
        %add3A_447 = arith.addf %scan3A_422, %get3A_446 : vector<16xf32>
        %get3A_448 = arith.constant 7 : i32
        %get3A_449 = arith.index_cast %get3A_448 : i32 to index
        %get3A_450 = arith.index_cast %add3A_427 : i32 to index
        %get3A_451 = arith.constant 48 : index
        %get3A_452 = tpu.vector_load %arg6[%get3A_449, %get3A_450, %get3A_451] {strides = array<i32>} : memref<8x100x64xf32, #tpu.memory_space<vmem>>, vector<1x1x16xf32>,
        %get3A_453 = vector.shape_cast %get3A_452 : vector<1x1x16xf32> to vector<16xf32>
        %add3A_454 = arith.addf %scan3A_423, %get3A_453 : vector<16xf32>
        %add3A_455 = arith.constant 1 : i32
        %add3A_456 = arith.addi %mul3A_425, %add3A_455 : i32
        %get3A_457 = arith.constant 7 : i32
        %get3A_458 = arith.index_cast %get3A_457 : i32 to index
        %get3A_459 = arith.index_cast %add3A_456 : i32 to index
        %get3A_460 = arith.constant 0 : index
        %get3A_461 = tpu.vector_load %arg6[%get3A_458, %get3A_459, %get3A_460] {strides = array<i32>} : memref<8x100x64xf32, #tpu.memory_space<vmem>>, vector<1x1x16xf32>,
        %get3A_462 = vector.shape_cast %get3A_461 : vector<1x1x16xf32> to vector<16xf32>
        %add3A_463 = arith.addf %add3A_433, %get3A_462 : vector<16xf32>
        %get3A_464 = arith.constant 7 : i32
        %get3A_465 = arith.index_cast %get3A_464 : i32 to index
        %get3A_466 = arith.index_cast %add3A_456 : i32 to index
        %get3A_467 = arith.constant 16 : index
        %get3A_468 = tpu.vector_load %arg6[%get3A_465, %get3A_466, %get3A_467] {strides = array<i32>} : memref<8x100x64xf32, #tpu.memory_space<vmem>>, vector<1x1x16xf32>,
        %get3A_469 = vector.shape_cast %get3A_468 : vector<1x1x16xf32> to vector<16xf32>
        %add3A_470 = arith.addf %add3A_440, %get3A_469 : vector<16xf32>
        %get3A_471 = arith.constant 7 : i32
        %get3A_472 = arith.index_cast %get3A_471 : i32 to index
        %get3A_473 = arith.index_cast %add3A_456 : i32 to index
        %get3A_474 = arith.constant 32 : index
        %get3A_475 = tpu.vector_load %arg6[%get3A_472, %get3A_473, %get3A_474] {strides = array<i32>} : memref<8x100x64xf32, #tpu.memory_space<vmem>>, vector<1x1x16xf32>,
        %get3A_476 = vector.shape_cast %get3A_475 : vector<1x1x16xf32> to vector<16xf32>
        %add3A_477 = arith.addf %add3A_447, %get3A_476 : vector<16xf32>
        %get3A_478 = arith.constant 7 : i32
        %get3A_479 = arith.index_cast %get3A_478 : i32 to index
        %get3A_480 = arith.index_cast %add3A_456 : i32 to index
        %get3A_481 = arith.constant 48 : index
        %get3A_482 = tpu.vector_load %arg6[%get3A_479, %get3A_480, %get3A_481] {strides = array<i32>} : memref<8x100x64xf32, #tpu.memory_space<vmem>>, vector<1x1x16xf32>,
        %get3A_483 = vector.shape_cast %get3A_482 : vector<1x1x16xf32> to vector<16xf32>
        %add3A_484 = arith.addf %add3A_454, %get3A_483 : vector<16xf32>
        %add3A_485 = arith.constant 2 : i32
        %add3A_486 = arith.addi %mul3A_425, %add3A_485 : i32
        %get3A_487 = arith.constant 7 : i32
        %get3A_488 = arith.index_cast %get3A_487 : i32 to index
        %get3A_489 = arith.index_cast %add3A_486 : i32 to index
        %get3A_490 = arith.constant 0 : index
        %get3A_491 = tpu.vector_load %arg6[%get3A_488, %get3A_489, %get3A_490] {strides = array<i32>} : memref<8x100x64xf32, #tpu.memory_space<vmem>>, vector<1x1x16xf32>,
        %get3A_492 = vector.shape_cast %get3A_491 : vector<1x1x16xf32> to vector<16xf32>
        %add3A_493 = arith.addf %add3A_463, %get3A_492 : vector<16xf32>
        %get3A_494 = arith.constant 7 : i32
        %get3A_495 = arith.index_cast %get3A_494 : i32 to index
        %get3A_496 = arith.index_cast %add3A_486 : i32 to index
        %get3A_497 = arith.constant 16 : index
        %get3A_498 = tpu.vector_load %arg6[%get3A_495, %get3A_496, %get3A_497] {strides = array<i32>} : memref<8x100x64xf32, #tpu.memory_space<vmem>>, vector<1x1x16xf32>,
        %get3A_499 = vector.shape_cast %get3A_498 : vector<1x1x16xf32> to vector<16xf32>
        %add3A_500 = arith.addf %add3A_470, %get3A_499 : vector<16xf32>
        %get3A_501 = arith.constant 7 : i32
        %get3A_502 = arith.index_cast %get3A_501 : i32 to index
        %get3A_503 = arith.index_cast %add3A_486 : i32 to index
        %get3A_504 = arith.constant 32 : index
        %get3A_505 = tpu.vector_load %arg6[%get3A_502, %get3A_503, %get3A_504] {strides = array<i32>} : memref<8x100x64xf32, #tpu.memory_space<vmem>>, vector<1x1x16xf32>,
        %get3A_506 = vector.shape_cast %get3A_505 : vector<1x1x16xf32> to vector<16xf32>
        %add3A_507 = arith.addf %add3A_477, %get3A_506 : vector<16xf32>
        %get3A_508 = arith.constant 7 : i32
        %get3A_509 = arith.index_cast %get3A_508 : i32 to index
        %get3A_510 = arith.index_cast %add3A_486 : i32 to index
        %get3A_511 = arith.constant 48 : index
        %get3A_512 = tpu.vector_load %arg6[%get3A_509, %get3A_510, %get3A_511] {strides = array<i32>} : memref<8x100x64xf32, #tpu.memory_space<vmem>>, vector<1x1x16xf32>,
        %get3A_513 = vector.shape_cast %get3A_512 : vector<1x1x16xf32> to vector<16xf32>
        %add3A_514 = arith.addf %add3A_484, %get3A_513 : vector<16xf32>
        %add3A_515 = arith.constant 3 : i32
        %add3A_516 = arith.addi %mul3A_425, %add3A_515 : i32
        %get3A_517 = arith.constant 7 : i32
        %get3A_518 = arith.index_cast %get3A_517 : i32 to index
        %get3A_519 = arith.index_cast %add3A_516 : i32 to index
        %get3A_520 = arith.constant 0 : index
        %get3A_521 = tpu.vector_load %arg6[%get3A_518, %get3A_519, %get3A_520] {strides = array<i32>} : memref<8x100x64xf32, #tpu.memory_space<vmem>>, vector<1x1x16xf32>,
        %get3A_522 = vector.shape_cast %get3A_521 : vector<1x1x16xf32> to vector<16xf32>
        %add3A_523 = arith.addf %add3A_493, %get3A_522 : vector<16xf32>
        %get3A_524 = arith.constant 7 : i32
        %get3A_525 = arith.index_cast %get3A_524 : i32 to index
        %get3A_526 = arith.index_cast %add3A_516 : i32 to index
        %get3A_527 = arith.constant 16 : index
        %get3A_528 = tpu.vector_load %arg6[%get3A_525, %get3A_526, %get3A_527] {strides = array<i32>} : memref<8x100x64xf32, #tpu.memory_space<vmem>>, vector<1x1x16xf32>,
        %get3A_529 = vector.shape_cast %get3A_528 : vector<1x1x16xf32> to vector<16xf32>
        %add3A_530 = arith.addf %add3A_500, %get3A_529 : vector<16xf32>
        %get3A_531 = arith.constant 7 : i32
        %get3A_532 = arith.index_cast %get3A_531 : i32 to index
        %get3A_533 = arith.index_cast %add3A_516 : i32 to index
        %get3A_534 = arith.constant 32 : index
        %get3A_535 = tpu.vector_load %arg6[%get3A_532, %get3A_533, %get3A_534] {strides = array<i32>} : memref<8x100x64xf32, #tpu.memory_space<vmem>>, vector<1x1x16xf32>,
        %get3A_536 = vector.shape_cast %get3A_535 : vector<1x1x16xf32> to vector<16xf32>
        %add3A_537 = arith.addf %add3A_507, %get3A_536 : vector<16xf32>
        %get3A_538 = arith.constant 7 : i32
        %get3A_539 = arith.index_cast %get3A_538 : i32 to index
        %get3A_540 = arith.index_cast %add3A_516 : i32 to index
        %get3A_541 = arith.constant 48 : index
        %get3A_542 = tpu.vector_load %arg6[%get3A_539, %get3A_540, %get3A_541] {strides = array<i32>} : memref<8x100x64xf32, #tpu.memory_space<vmem>>, vector<1x1x16xf32>,
        %get3A_543 = vector.shape_cast %get3A_542 : vector<1x1x16xf32> to vector<16xf32>
        %add3A_544 = arith.addf %add3A_514, %get3A_543 : vector<16xf32>
        %add3A_545 = arith.constant 4 : i32
        %add3A_546 = arith.addi %mul3A_425, %add3A_545 : i32
        %get3A_547 = arith.constant 7 : i32
        %get3A_548 = arith.index_cast %get3A_547 : i32 to index
        %get3A_549 = arith.index_cast %add3A_546 : i32 to index
        %get3A_550 = arith.constant 0 : index
        %get3A_551 = tpu.vector_load %arg6[%get3A_548, %get3A_549, %get3A_550] {strides = array<i32>} : memref<8x100x64xf32, #tpu.memory_space<vmem>>, vector<1x1x16xf32>,
        %get3A_552 = vector.shape_cast %get3A_551 : vector<1x1x16xf32> to vector<16xf32>
        %add3A_553 = arith.addf %add3A_523, %get3A_552 : vector<16xf32>
        %get3A_554 = arith.constant 7 : i32
        %get3A_555 = arith.index_cast %get3A_554 : i32 to index
        %get3A_556 = arith.index_cast %add3A_546 : i32 to index
        %get3A_557 = arith.constant 16 : index
        %get3A_558 = tpu.vector_load %arg6[%get3A_555, %get3A_556, %get3A_557] {strides = array<i32>} : memref<8x100x64xf32, #tpu.memory_space<vmem>>, vector<1x1x16xf32>,
        %get3A_559 = vector.shape_cast %get3A_558 : vector<1x1x16xf32> to vector<16xf32>
        %add3A_560 = arith.addf %add3A_530, %get3A_559 : vector<16xf32>
        %get3A_561 = arith.constant 7 : i32
        %get3A_562 = arith.index_cast %get3A_561 : i32 to index
        %get3A_563 = arith.index_cast %add3A_546 : i32 to index
        %get3A_564 = arith.constant 32 : index
        %get3A_565 = tpu.vector_load %arg6[%get3A_562, %get3A_563, %get3A_564] {strides = array<i32>} : memref<8x100x64xf32, #tpu.memory_space<vmem>>, vector<1x1x16xf32>,
        %get3A_566 = vector.shape_cast %get3A_565 : vector<1x1x16xf32> to vector<16xf32>
        %add3A_567 = arith.addf %add3A_537, %get3A_566 : vector<16xf32>
        %get3A_568 = arith.constant 7 : i32
        %get3A_569 = arith.index_cast %get3A_568 : i32 to index
        %get3A_570 = arith.index_cast %add3A_546 : i32 to index
        %get3A_571 = arith.constant 48 : index
        %get3A_572 = tpu.vector_load %arg6[%get3A_569, %get3A_570, %get3A_571] {strides = array<i32>} : memref<8x100x64xf32, #tpu.memory_space<vmem>>, vector<1x1x16xf32>,
        %get3A_573 = vector.shape_cast %get3A_572 : vector<1x1x16xf32> to vector<16xf32>
        %add3A_574 = arith.addf %add3A_544, %get3A_573 : vector<16xf32>
        scf.yield %add3A_553, %add3A_560, %add3A_567, %add3A_574 : vector<16xf32>, vector<16xf32>, vector<16xf32>, vector<16xf32>
      }
      %scan3A_385 = arith.constant 20 : i32
      %add3A_386 = arith.constant 7 : i32
      %add3A_387 = arith.addi %mul3A_111, %add3A_386 : i32
      %add3A_388 = arith.constant 8 : i32
      %add3A_389 = arith.addi %add3A_387, %add3A_388 : i32
      %lt3A_390 = arith.constant 256 : i32
      %lt3A_391 = arith.cmpi slt, %add3A_389, %lt3A_390 : i32
      %convert_element_type3A_392 = arith.extui %lt3A_391 : i1 to i32
      %cond3A_393 = arith.constant 0 : i32
      %cond3A_394 = arith.cmpi ne, %convert_element_type3A_392, %cond3A_393 : i32
      scf.if %cond3A_394 {
        %add3A_419 = arith.constant 7 : i32
        %add3A_420 = arith.addi %mul3A_111, %add3A_419 : i32
        %add3A_421 = arith.constant 8 : i32
        %add3A_422 = arith.addi %add3A_420, %add3A_421 : i32
        %dma_start3A_423 = arith.constant 7 : i32
        %dma_start3A_424 = arith.constant 0 : i32
        %dma_start3A_425 = arith.constant 0 : i32
        %dma_start3A_426 = tpu.memref_slice %arg6[%dma_start3A_423, %dma_start3A_424, %dma_start3A_425] : memref<8x100x64xf32, #tpu.memory_space<vmem>> -> memref<1x100x64xf32, #tpu.memory_space<vmem>>
        %dma_start3A_427 = tpu.memref_squeeze %dma_start3A_426 : memref<1x100x64xf32, #tpu.memory_space<vmem>> -> memref<100x64xf32, #tpu.memory_space<vmem>>
        %dma_start3A_428 = arith.constant 0 : i32
        %dma_start3A_429 = tpu.memref_slice %arg5[%add3A_422, %dma_start3A_428] : memref<256x100xi32, #tpu.memory_space<vmem>> -> memref<1x100xi32, #tpu.memory_space<vmem>>
        %dma_start3A_430 = tpu.memref_squeeze %dma_start3A_429 : memref<1x100xi32, #tpu.memory_space<vmem>> -> memref<100xi32, #tpu.memory_space<vmem>>
        %dma_start3A_431 = arith.constant 0 : i32
        %dma_start3A_432 = arith.constant 0 : i32
        %dma_start3A_433 = tpu.memref_slice %arg3[%dma_start3A_431, %dma_start3A_432] : memref<1015808x64xf32, #tpu.memory_space<hbm>> -> memref<1015808x64xf32, #tpu.memory_space<hbm>>
        tpu.enqueue_indirect_dma source(%dma_start3A_433 : memref<1015808x64xf32, #tpu.memory_space<hbm>>) target(%dma_start3A_427 : memref<100x64xf32, #tpu.memory_space<vmem>>) offsets(%dma_start3A_430 : memref<100xi32, #tpu.memory_space<vmem>>) semaphore(%arg15 : memref<!tpu.dma_semaphore, #tpu.memory_space<semaphore_mem>>)
      } else {
      }
      %mul3A_395 = arith.constant 4 : i32
      %mul3A_396 = arith.muli %mul3A_395, %add3A_109 : i32
      %add3A_397 = arith.constant 3 : i32
      %add3A_398 = arith.addi %mul3A_396, %add3A_397 : i32
      %swap3A_399 = arith.index_cast %add3A_398 : i32 to index
      %swap3A_400 = arith.constant 0 : index
      %swap3A_401 = tpu.vector_load %arg7[%swap3A_399, %swap3A_400] {strides = array<i32>} : memref<128x64xf32, #tpu.memory_space<vmem>>, vector<1x16xf32>,
      %swap3A_402 = vector.shape_cast %swap3A_401 : vector<1x16xf32> to vector<16xf32>
      %swap3A_403 = vector.shape_cast %scan3A_384#0 : vector<16xf32> to vector<1x16xf32>
      tpu.vector_store %arg7[%swap3A_399, %swap3A_400], %swap3A_403 {strides = array<i32>} : memref<128x64xf32, #tpu.memory_space<vmem>>, vector<1x16xf32>,
      %swap3A_404 = arith.index_cast %add3A_398 : i32 to index
      %swap3A_405 = arith.constant 16 : index
      %swap3A_406 = tpu.vector_load %arg7[%swap3A_404, %swap3A_405] {strides = array<i32>} : memref<128x64xf32, #tpu.memory_space<vmem>>, vector<1x16xf32>,
      %swap3A_407 = vector.shape_cast %swap3A_406 : vector<1x16xf32> to vector<16xf32>
      %swap3A_408 = vector.shape_cast %scan3A_384#1 : vector<16xf32> to vector<1x16xf32>
      tpu.vector_store %arg7[%swap3A_404, %swap3A_405], %swap3A_408 {strides = array<i32>} : memref<128x64xf32, #tpu.memory_space<vmem>>, vector<1x16xf32>,
      %swap3A_409 = arith.index_cast %add3A_398 : i32 to index
      %swap3A_410 = arith.constant 32 : index
      %swap3A_411 = tpu.vector_load %arg7[%swap3A_409, %swap3A_410] {strides = array<i32>} : memref<128x64xf32, #tpu.memory_space<vmem>>, vector<1x16xf32>,
      %swap3A_412 = vector.shape_cast %swap3A_411 : vector<1x16xf32> to vector<16xf32>
      %swap3A_413 = vector.shape_cast %scan3A_384#2 : vector<16xf32> to vector<1x16xf32>
      tpu.vector_store %arg7[%swap3A_409, %swap3A_410], %swap3A_413 {strides = array<i32>} : memref<128x64xf32, #tpu.memory_space<vmem>>, vector<1x16xf32>,
      %swap3A_414 = arith.index_cast %add3A_398 : i32 to index
      %swap3A_415 = arith.constant 48 : index
      %swap3A_416 = tpu.vector_load %arg7[%swap3A_414, %swap3A_415] {strides = array<i32>} : memref<128x64xf32, #tpu.memory_space<vmem>>, vector<1x16xf32>,
      %swap3A_417 = vector.shape_cast %swap3A_416 : vector<1x16xf32> to vector<16xf32>
      %swap3A_418 = vector.shape_cast %scan3A_384#3 : vector<16xf32> to vector<1x16xf32>
      tpu.vector_store %arg7[%swap3A_414, %swap3A_415], %swap3A_418 {strides = array<i32>} : memref<128x64xf32, #tpu.memory_space<vmem>>, vector<1x16xf32>,
    }
    %scan3A_102 = arith.constant 32 : i32
    %mul3A_103 = arith.constant 128 : i32
    %mul3A_104 = arith.muli %add3A, %mul3A_103 : i32
    "tpu.region"() ({
      %run_scoped3A = tpu.sem_alloc : memref<!tpu.dma_semaphore, #tpu.memory_space<semaphore_mem>>
      %dma_start3A_105 = arith.constant 0 : i32
      %dma_start3A_106 = tpu.memref_slice %arg4[%mul3A_104, %dma_start3A_105] : memref<4096x64xf32, #tpu.memory_space<hbm>> -> memref<128x64xf32, #tpu.memory_space<hbm>>
      %dma_start3A_107 = arith.constant 0 : i32
      %dma_start3A_108 = tpu.memref_slice %arg4[%mul3A_104, %dma_start3A_107] : memref<4096x64xf32, #tpu.memory_space<hbm>> -> memref<128x64xf32, #tpu.memory_space<hbm>>
      tpu.enqueue_dma source(%arg7 : memref<128x64xf32, #tpu.memory_space<vmem>>) target(%dma_start3A_108 : memref<128x64xf32, #tpu.memory_space<hbm>>) target_semaphore(%run_scoped3A : memref<!tpu.dma_semaphore, #tpu.memory_space<semaphore_mem>>)
      %dma_wait3A = arith.constant 0 : i32
      %dma_wait3A_109 = tpu.memref_slice %arg4[%mul3A_104, %dma_wait3A] : memref<4096x64xf32, #tpu.memory_space<hbm>> -> memref<128x64xf32, #tpu.memory_space<hbm>>
      %dma_wait3A_110 = arith.constant 0 : i32
      %dma_wait3A_111 = tpu.memref_slice %arg4[%mul3A_104, %dma_wait3A_110] : memref<4096x64xf32, #tpu.memory_space<hbm>> -> memref<128x64xf32, #tpu.memory_space<hbm>>
      tpu.wait_dma2 semaphore(%run_scoped3A : memref<!tpu.dma_semaphore, #tpu.memory_space<semaphore_mem>>) src(%arg7 : memref<128x64xf32, #tpu.memory_space<vmem>>) dst(%dma_wait3A_111 : memref<128x64xf32, #tpu.memory_space<hbm>>)
      tpu.yield
    }) : () -> ()
    return
  }
}

module attributes {stable_mosaic.version = 14 : i64} {
  func.func @_tr_body(%arg0: i32, %arg1: memref<64x32768xf32, #tpu.memory_space<vmem>>, %arg2: memref<16384x128xf32, #tpu.memory_space<vmem>>) attributes {dimension_semantics = [#tpu.dimension_semantics<arbitrary>], iteration_bounds = array<i64: 31>, scalar_prefetch = 0 : i64, scratch_operands = 0 : i64, tpu.core_type = #tpu.core_type<tc>, window_params = [{transform_indices = @transform_0, window_bounds = array<i64: 64, 32768>}, {transform_indices = @transform_1, window_bounds = array<i64: 16384, 128>}]} {
    %get3A = arith.constant 0 : index
    %get3A_0 = arith.constant 0 : index
    %get3A_1 = vector.load %arg1[%get3A, %get3A_0] : memref<64x32768xf32, #tpu.memory_space<vmem>>, vector<64x16384xf32>
    %get3A_2 = arith.constant 0 : index
    %get3A_3 = arith.constant 16384 : index
    %get3A_4 = vector.load %arg1[%get3A_2, %get3A_3] : memref<64x32768xf32, #tpu.memory_space<vmem>>, vector<64x16384xf32>
    %concatenate3A = tpu.concatenate %get3A_1, %get3A_4 in 0 : vector<64x16384xf32>, vector<64x16384xf32> -> vector<128x16384xf32>
    %transpose3A = tpu.transpose %concatenate3A, [1, 0] : vector<128x16384xf32> -> vector<16384x128xf32>
    %swap3A = arith.constant 0 : index
    %swap3A_5 = arith.constant 0 : index
    %swap3A_6 = vector.load %arg2[%swap3A, %swap3A_5] : memref<16384x128xf32, #tpu.memory_space<vmem>>, vector<16384x128xf32>
    tpu.vector_store %arg2[%swap3A, %swap3A_5], %transpose3A {strides = array<i32>} : memref<16384x128xf32, #tpu.memory_space<vmem>>, vector<16384x128xf32>,
    return
  }
  func.func @transform_0(%arg0: i32) -> (i32, i32) {
    %c0_i32 = arith.constant 0 : i32
    %c0_i32_0 = arith.constant 0 : i32
    return %c0_i32, %arg0 : i32, i32
  }
  func.func @transform_1(%arg0: i32) -> (i32, i32) {
    %c0_i32 = arith.constant 0 : i32
    %c0_i32_0 = arith.constant 0 : i32
    return %arg0, %c0_i32 : i32, i32
  }
}

module attributes {stable_mosaic.version = 14 : i64} {
  func.func @_head_body(%arg0: i32, %arg1: memref<1024x64xf32, #tpu.memory_space<vmem>>, %arg2: memref<64x128xf32, #tpu.memory_space<vmem>>, %arg3: memref<1x128xf32, #tpu.memory_space<vmem>>, %arg4: memref<1024x128xf32, #tpu.memory_space<vmem>>) attributes {dimension_semantics = [#tpu.dimension_semantics<arbitrary>], iteration_bounds = array<i64: 4>, scalar_prefetch = 0 : i64, scratch_operands = 0 : i64, tpu.core_type = #tpu.core_type<tc>, window_params = [{transform_indices = @transform_0, window_bounds = array<i64: 1024, 64>}, {pipeline_mode = #tpu.pipeline_mode<synchronous>, transform_indices = @transform_1, window_bounds = array<i64: 64, 128>}, {pipeline_mode = #tpu.pipeline_mode<synchronous>, transform_indices = @transform_2, window_bounds = array<i64: 1, 128>}, {transform_indices = @transform_3, window_bounds = array<i64: 1024, 128>}]} {
    %get3A = arith.constant 0 : index
    %get3A_0 = arith.constant 0 : index
    %get3A_1 = vector.load %arg1[%get3A, %get3A_0] : memref<1024x64xf32, #tpu.memory_space<vmem>>, vector<1024x64xf32>
    %mul3A = arith.constant 5.000000e-03 : f32
    %mul3A_2 = vector.broadcast %mul3A : f32 to vector<1024x64xf32>
    %mul3A_3 = arith.mulf %get3A_1, %mul3A_2 : vector<1024x64xf32>
    %get3A_4 = arith.constant 0 : index
    %get3A_5 = arith.constant 0 : index
    %get3A_6 = vector.load %arg2[%get3A_4, %get3A_5] : memref<64x128xf32, #tpu.memory_space<vmem>>, vector<64x128xf32>
    %dot_general3A = arith.constant dense<0.000000e+00> : vector<1024x128xf32>
    %dot_general3A_7 = tpu.matmul %mul3A_3, %get3A_6, %dot_general3A {dimension_numbers = #tpu.dot_dimension_numbers<[1], [0], [0], [1], [0, 0, 1, 1], [], []>, transpose_lhs_hint = false} : vector<1024x64xf32>, vector<64x128xf32>, vector<1024x128xf32> -> vector<1024x128xf32>
    %get3A_8 = arith.constant 0 : index
    %get3A_9 = arith.constant 0 : index
    %get3A_10 = vector.load %arg3[%get3A_8, %get3A_9] : memref<1x128xf32, #tpu.memory_space<vmem>>, vector<1x128xf32>
    %add3A = vector.broadcast %get3A_10 : vector<1x128xf32> to vector<1024x128xf32>
    %add3A_11 = arith.addf %dot_general3A_7, %add3A : vector<1024x128xf32>
    %reduce_max3A = arith.constant dense<0xFF800000> : vector<1024xf32>
    %reduce_max3A_12 = vector.multi_reduction <maximumf>, %add3A_11, %reduce_max3A [1] : vector<1024x128xf32> to vector<1024xf32>
    %broadcast_in_dim3A = vector.shape_cast %reduce_max3A_12 : vector<1024xf32> to vector<1024x1xf32>
    %sub3A = vector.broadcast %broadcast_in_dim3A : vector<1024x1xf32> to vector<1024x128xf32>
    %sub3A_13 = arith.subf %add3A_11, %sub3A : vector<1024x128xf32>
    %exp3A = math.exp %sub3A_13 : vector<1024x128xf32>
    %reduce_sum3A = arith.constant dense<0.000000e+00> : vector<1024xf32>
    %reduce_sum3A_14 = vector.multi_reduction <add>, %exp3A, %reduce_sum3A [1] : vector<1024x128xf32> to vector<1024xf32>
    %broadcast_in_dim3A_15 = vector.shape_cast %reduce_sum3A_14 : vector<1024xf32> to vector<1024x1xf32>
    %log3A = math.log %broadcast_in_dim3A_15 : vector<1024x1xf32>
    %sub3A_16 = vector.broadcast %broadcast_in_dim3A : vector<1024x1xf32> to vector<1024x128xf32>
    %sub3A_17 = arith.subf %add3A_11, %sub3A_16 : vector<1024x128xf32>
    %sub3A_18 = vector.broadcast %log3A : vector<1024x1xf32> to vector<1024x128xf32>
    %sub3A_19 = arith.subf %sub3A_17, %sub3A_18 : vector<1024x128xf32>
    %swap3A = arith.constant 0 : index
    %swap3A_20 = arith.constant 0 : index
    %swap3A_21 = vector.load %arg4[%swap3A, %swap3A_20] : memref<1024x128xf32, #tpu.memory_space<vmem>>, vector<1024x128xf32>
    tpu.vector_store %arg4[%swap3A, %swap3A_20], %sub3A_19 {strides = array<i32>} : memref<1024x128xf32, #tpu.memory_space<vmem>>, vector<1024x128xf32>,
    return
  }
  func.func @transform_0(%arg0: i32) -> (i32, i32) {
    %c0_i32 = arith.constant 0 : i32
    %c0_i32_0 = arith.constant 0 : i32
    return %arg0, %c0_i32 : i32, i32
  }
  func.func @transform_1(%arg0: i32) -> (i32, i32) {
    %c0_i32 = arith.constant 0 : i32
    %c0_i32_0 = arith.constant 0 : i32
    %c0_i32_1 = arith.constant 0 : i32
    return %c0_i32, %c0_i32_0 : i32, i32
  }
  func.func @transform_2(%arg0: i32) -> (i32, i32) {
    %c0_i32 = arith.constant 0 : i32
    %c0_i32_0 = arith.constant 0 : i32
    %c0_i32_1 = arith.constant 0 : i32
    return %c0_i32, %c0_i32_0 : i32, i32
  }
  func.func @transform_3(%arg0: i32) -> (i32, i32) {
    %c0_i32 = arith.constant 0 : i32
    %c0_i32_0 = arith.constant 0 : i32
    return %arg0, %c0_i32 : i32, i32
  }
}

</mosaic_0001>

<sc_bundles>
// kernel: kernel.5.cloned.1.call-start
scs
__scs_entry_jumppad:
0x0: {  	(pc) =	sbr.rel $0x88, $3  }
0x1: {  	(tag) =	ssettag $0x0;
	lr =	simm.s32 $0x1  }
0x2: {  	[smem:$0x3F9D] =	sst lr;
	_ =	strace $0xD0000000  }
0x3: {  	_ = 	snop  }
0x4: {  	_ = 	snop  }
0x5: {  	_ = 	snop  }
0x6: {  	_ = 	snop  }
0x7: {  	_ = 	snop  }
__scs_overlays_trampoline_lowered:
0x8: {  	[smem:$0x3FAC] =	sst s0  }
0x9: {  	[smem:$0x3FAD] =	sst s1  }
0xa: {  	[smem:$0x3FAE] =	sst s2  }
0xb: {  	[smem:$0x3FAF] =	sst s3  }
0xc: {  	[smem:$0x3FB0] =	sst s4  }
0xd: {  	[smem:$0x3FB1] =	sst s5  }
0xe: {  	[smem:$0x3FB2] =	sst s6  }
0xf: {  	[smem:$0x3FB3] =	sst s7  }
0x10: {  	[smem:$0x3FB4] =	sst s8  }
0x11: {  	[smem:$0x3FB5] =	sst s9;
	s0 =	simm.s32 @!p0 $0x0  }
0x12: {  	s1 =	sld [smem:$0x3F9B];
	s0 =	simm.s32 @p0 $0x1  }
0x13: {  	[smem:$0x3FB6] =	sst s0;
	s0 =	simm.s32 @!p1 $0x0  }
0x14: {  	s2 =	sld [smem:$0x3F9A];
	s0 =	simm.s32 @p1 $0x1  }
0x15: {  	[smem:$0x3FB7] =	sst s0;
	s0 =	simm.s32 @!p2 $0x0  }
0x16: {  	s3 =	sld [smem:$0x3FDB];
	s0 =	simm.s32 @p2 $0x1  }
0x17: {  	s4 =	simm.s32 $0x1BF5;
	[smem:$0x3FB9] =	sst s0  }
0x18: {  	s0 =	sld [smem:$0x3F9C];
	_ =	swait.ge [sflag:s4], $0x0  }
0x19: {  	s7 =	sld [smem:$0x3F9D]  }
0x1a: {  	s8 =	sadd.s32 $0xFFFFE003, lr  }
0x1b: {  	s9 =	sadd.s32 $0xFFFFFEF7, lr;
	s5 =	simm.s32 $0xFFFFFFFF;
	p2 =	slt.u32 s8, $0xFFFFF086  }
0x1c: {  	p1 =	slt.u32 s9, $0xF7A;
	s5 =	simm.s32 @!p2 $0x0  }
0x1d: {  	s5 =	simm.s32 @p1 $0x1;
	p0 =	seq.s32 s7, s2  }
0x1e: {  	s7 =	smul.u32 @!p0 $0xF7A, s2;
	p2 =	seq.s32 @!p0 s5, $0x0  }
0x1f: {  	s9 =	smul.u32 $0xF7A, s1;
	s8 =	simm.s32 @!p0 $0x1BF5;
	p2 =	por !p2, p0  }
0x20: {  	[sflag:s8] =	ssyncset.s32 @!p0 $0xFFFFF086;
	s6 =	sadd.s32 @!p0 s3, s7;
	s7 =	simm.s32 @!p0 $0x108  }
0x21: {  	s3 =	sadd.s32 s3, s9;
	s6 =	sadd.s32 @!p0 $0x88, s6;
	s7 =	simm.s32 @p2 $0x1082  }
0x22: {  	[simem:s7], [sflag:s8] =	dma.local @!p0 [hbm:s6], $0xF7A  }
0x23: {  	s9 =	sor.u32 $0xD0000000, s2;
	s6 =	simm.s32 $0x108;
	_ =	swait.ge @!p0 [sflag:s8], $0x0  }
0x24: {  	s3 =	sadd.s32 $0x88, s3;
	s6 =	simm.s32 @!p1 $0x1082;
	[sflag:s4] =	ssyncset.s32 $0xFFFFF086  }
0x25: {  	[simem:s6], [sflag:s4] =	dma.local [hbm:s3], $0xF7A  }
0x26: {  	[smem:$0x3F9D] =	sst s1;
	(tag) =	ssettag s2;
	_ =	strace s9  }
0x27: {  	s1 =	sld [smem:$0x3FAD]  }
0x28: {  	s2 =	sld [smem:$0x3FAE]  }
0x29: {  	s4 =	sld [smem:$0x3FB0]  }
0x2a: {  	p0 =	seq.s32 s5, $0x0;
	s5 =	sld [smem:$0x3FB1]  }
0x2b: {  	s6 =	sld [smem:$0x3FB2]  }
0x2c: {  	s7 =	sld [smem:$0x3FB3]  }
0x2d: {  	s3 =	simm.s32 $0x108;
	s8 =	sld [smem:$0x3FB4]  }
0x2e: {  	s3 =	simm.s32 @!p0 $0x1082;
	s9 =	sld [smem:$0x3FB5]  }
0x2f: {  	lr =	sadd.s32 s0, s3;
	s0 =	sld [smem:$0x3FAC]  }
0x30: {  	s3 =	sld [smem:$0x3FAF]  }
0x31: {  	[smem:$0x3FB8] =	sst s10  }
0x32: {  	s10 =	sld [smem:$0x3FB6];
	_ =	sdelay $0x3  }
0x33: {  	p0 =	seq.s32 s10, $0x1;
	s10 =	sld [smem:$0x3FB8];
	_ =	sdelay $0x3  }
0x34: {  	[smem:$0x3FB8] =	sst s10  }
0x35: {  	s10 =	sld [smem:$0x3FB7];
	_ =	sdelay $0x3  }
0x36: {  	p1 =	seq.s32 s10, $0x1;
	s10 =	sld [smem:$0x3FB8];
	_ =	sdelay $0x3  }
0x37: {  	[smem:$0x3FB8] =	sst s10  }
0x38: {  	s10 =	sld [smem:$0x3FB9]  }
0x39: {  	_ = 	snop;
	(pc) =	sbr.ind lr, $3  }
0x3a: {  	_ = 	snop  }
0x3b: {  	_ = 	snop  }
0x3c: {  	p2 =	seq.s32 s10, $0x1;
	s10 =	sld [smem:$0x3FB8]  }
0x3d: {  	_ =	shalt  }
0x3e: {  	_ =	shalt  }
0x3f: {  	_ =	shalt  }
0x40: {  	_ =	shalt  }
0x41: {  	_ =	shalt  }
0x42: {  	_ =	shalt  }
0x43: {  	_ =	shalt  }
0x44: {  	_ =	shalt  }
0x45: {  	_ =	shalt  }
0x46: {  	_ =	shalt  }
0x47: {  	_ =	shalt  }
0x48: {  	_ =	shalt  }
0x49: {  	_ =	shalt  }
0x4a: {  	_ =	shalt  }
0x4b: {  	_ =	shalt  }
0x4c: {  	_ =	shalt  }
0x4d: {  	_ =	shalt  }
0x4e: {  	_ =	shalt  }
0x4f: {  	_ =	shalt  }
0x50: {  	_ =	shalt  }
0x51: {  	_ =	shalt  }
0x52: {  	_ =	shalt  }
0x53: {  	_ =	shalt  }
0x54: {  	_ =	shalt  }
0x55: {  	_ =	shalt  }
0x56: {  	_ =	shalt  }
0x57: {  	_ =	shalt  }
0x58: {  	_ =	shalt  }
0x59: {  	_ =	shalt  }
0x5a: {  	_ =	shalt  }
0x5b: {  	_ =	shalt  }
0x5c: {  	_ =	shalt  }
0x5d: {  	_ =	shalt  }
0x5e: {  	_ =	shalt  }
0x5f: {  	_ =	shalt  }
0x60: {  	_ =	shalt  }
0x61: {  	_ =	shalt  }
0x62: {  	_ =	shalt  }
0x63: {  	_ =	shalt  }
0x64: {  	_ =	shalt  }
0x65: {  	_ =	shalt  }
0x66: {  	_ =	shalt  }
0x67: {  	_ =	shalt  }
0x68: {  	_ =	shalt  }
0x69: {  	_ =	shalt  }
0x6a: {  	_ =	shalt  }
0x6b: {  	_ =	shalt  }
0x6c: {  	_ =	shalt  }
0x6d: {  	_ =	shalt  }
0x6e: {  	_ =	shalt  }
0x6f: {  	_ =	shalt  }
0x70: {  	_ =	shalt  }
0x71: {  	_ =	shalt  }
0x72: {  	_ =	shalt  }
0x73: {  	_ =	shalt  }
0x74: {  	_ =	shalt  }
0x75: {  	_ =	shalt  }
0x76: {  	_ =	shalt  }
0x77: {  	_ =	shalt  }
0x78: {  	_ =	shalt  }
0x79: {  	_ =	shalt  }
0x7a: {  	_ =	shalt  }
0x7b: {  	_ =	shalt  }
0x7c: {  	_ =	shalt  }
0x7d: {  	_ =	shalt  }
0x7e: {  	_ =	shalt  }
0x7f: {  	_ =	shalt  }
0x80: {  	_ =	shalt  }
0x81: {  	_ =	shalt  }
0x82: {  	_ =	shalt  }
0x83: {  	_ =	shalt  }
0x84: {  	_ =	shalt  }
0x85: {  	_ =	shalt  }
0x86: {  	_ =	shalt  }
0x87: {  	_ =	shalt  }
.Lfunc_end0:
.L_simem_size_0:
called_computation_lowered:
.L_overlay_start_0:
0x88: {  	s2 =	sld [smem:$0x3FD9]  }
0x89: {  	s3 =	sld [smem:$0x3FFE];
	_ =	sdelay $0x1  }
0x8a: {  	s1 =	srdreg.scid  }
0x8b: {  	s0 =	sand.u32 $0x1, s1  }
0x8c: {  	s17 =	sshll.u32 s0, $0xA;
	s2 =	sadd.s32 s3, s2  }
0x8d: {  	s2 =	sadd.s32 s2, s17  }
0x8e: {  	[smem:$0x3FC4] =	sst s2  }
0x8f: {  	_ = 	snop  }
0x90: {  	s2 =	sld [smem:$0x3FD0];
	(tm) =	ssettm $0x1  }
0x91: {  	s18 =	sld [smem:$0x3FFB];
	_ =	sdelay $0x3  }
0x92: {  	_ =	strace s18  }
0x93: {  	s3 =	sld [smem:$0x3FFC];
	_ =	sdelay $0x3  }
0x94: {  	_ =	strace s3  }
0x95: {  	s3 =	sld [smem:$0x3FFD];
	_ =	sdelay $0x3  }
0x96: {  	_ =	strace s3  }
0x97: {  	_ =	strace $0x8FFFFFFF  }
0x98: {  	s19 =	sld [smem:$0x3FDB];
	_ =	sdelay $0x1  }
0x99: {  	s4 =	simm.s32 $_scs_section_size  }
0x9a: {  	s5 =	simm.s32 $_size__tile_overlayer_lowered;
	s6 =	simm.s32 $_tile_overlayer_lowered  }
0x9b: {  	s22 =	simm.s32 $0x1BFF;
	s21 =	sshll.u32 s6, $0x1;
	s3 =	sadd.s32 s4, s19  }
0x9c: {  	s7 =	simm.s32 $0x0;
	s20 =	sshll.u32 s5, $0x1;
	s5 =	sadd.s32 s21, s3  }
0x9d: {  	[timem:s7], [sflag:s22] =	dma.local [hbm:s5], s20  }
0x9e: {  	_ =	swait.ge [sflag:s22], s20  }
0x9f: {  	s4 =	ssub.s32 $0x0, s20;
	[sflag:s22] =	ssyncset.done $0x0  }
0xa0: {  	[sflag:s22] =	ssyncadd.s32 s4;
	_ =	sdelay $0x1  }
0xa1: {  	s23 =	simm.s32 $0x1B8B  }
0xa2: {  	_ =	swait.ge [sflag:s23], $0x1  }
0xa3: {  	[sflag:s23] =	ssyncset.done $0x0  }
0xa4: {  	s25 =	simm.s32 $0x1B8E;
	s24 =	sld [smem:$0x3FFE];
	[sflag:s23] =	ssyncadd.s32 $0xFFFFFFFF  }
0xa5: {  	s26 =	simm.s32 $execute0_lowered;
	[smem:$0x3FD2] =	sst s25  }
0xa6: {  	s5 =	sshll.u32 s26, $0x1;
	_ =	strace $0x80000046;
	[dreg:$0x1] =	wrdreg $0xFFFFFFFF  }
0xa7: {  	s28 =	simm.s32 $_size_execute0_lowered;
	s3 =	sadd.s32 s3, s5;
	[dreg:$0x0] =	wrdreg $0x0  }
0xa8: {  	s5 =	sshll.u32 s28, $0x1;
	[dreg:$0x2] =	wrdreg s3  }
0xa9: {  	[dreg:$0x3] =	wrdreg s5  }
0xaa: {  	[dreg:$0x4] =	wrdreg $0xC0  }
0xab: {  	_ =	task [dreg:s7], $0x5FFFF  }
0xac: {  	[dreg:$0x1] =	wrdreg $0xFFFFFFFF  }
0xad: {  	[dreg:$0x0] =	wrdreg $0x60  }
0xae: {  	[dreg:$0x2] =	wrdreg s24  }
0xaf: {  	[dreg:$0x3] =	wrdreg s2  }
0xb0: {  	[dreg:$0x4] =	wrdreg $0x9  }
0xb1: {  	_ =	task.clear_ibuf [dreg:s7], $0x5FFFF;
	_ =	strace $0x90000046  }
0xb2: {  	s29 =	simm.s32 $0x9;
	_ =	strace $0x80000048  }
0xb3: {  	_ =	swait.ge [sflag:s29], $0x1  }
0xb4: {  	[sflag:s29] =	ssyncadd.s32 $0xFFFFFFFF  }
0xb5: {  	_ =	strace $0x90000048  }
0xb6: {  	_ =	sfence  }
0xb7: {  	s30 =	sld [smem:$0x0];
	_ =	sdelay $0x2  }
0xb8: {  	s31 =	sshll.u32 s1, $0xD;
	s1 =	sshrl.u32 s1, $0x2  }
0xb9: {  	s3 =	sand.u32 $0x4000, s31;
	s1 =	sadd.s32 s1, s30  }
0xba: {  	s0 =	sor.u32 s3, s0;
	s1 =	sshll.u32 s1, $0x11  }
0xbb: {  	s0 =	sor.u32 s1, s0  }
0xbc: {  	s0 =	sadd.s32 $0x8F2B, s0  }
0xbd: {  	[sflag:s0] =	ssyncadd.remote.s32 $0x1  }
0xbe: {  	_ =	sfence.sel $0xFFFF  }
0xbf: {  	[dreg:$0x0] =	wrdreg $0xFFFFFFFF;
	(pc) =	sbr.abs _section_cstart, $3  }
0xc0: {  	[dreg:$0x1] =	wrdreg $0xFFFFFFFF  }
0xc1: {  	_ =	task.clear_ibuf [dreg:s7], $0x2FFFF;
	_ =	strace $0x9FFFFFFF  }
0xc2: {  	(tm) =	ssettm $0x7FFFFFFF  }
0xc3: {  	_ =	shalt  }
tec
execute0_lowered:
.L_overlay_start_1:
0x0: {  	(tag) =	ssettag $0x1  }
0x1: {  	s0 =	srdreg.scid;
	s1 =	rddreg [dreg:$0x0]  }
0x2: {  	s2 =	stileid.u32;
	s5 =	rddreg [dreg:$0x1];
	s8 =	simm.s32 $0x64  }
0x3: {  	s16 =	simm.s32 $0x1A0;
	s17 =	simm.s32 $0xCC00;
	s18 =	simm.s32 $0x208  }
0x4: {  	s19 =	simm.s32 $0xE500;
	s20 =	simm.s32 $0x270;
	s21 =	simm.s32 $0xFE00  }
0x5: {  	s22 =	simm.s32 $0x2D8;
	s23 =	simm.s32 $0x11700;
	s24 =	simm.s32 $0x1  }
0x6: {  	s25 =	simm.s32 $0x2;
	s28 =	simm.s32 $0x4;
	s29 =	simm.s32 $0x5  }
0x7: {  	s30 =	simm.s32 $0x6;
	s0 =	sand.u32 $0x1, s0;
	s2 =	sshll.u32 s2, $0x1  }
0x8: {  	s31 =	simm.s32 $0x7;
	s9 =	simm.s32 $0x0;
	s4 =	sor.u32 s0, s2  }
0x9: {  	s2 =	simm.s32 $0x0;
	s0 =	ssub.s32 $0x2, s0;
	s3 =	smul.u32 $0xD00, s4  }
.Ltmp0:
0xa: {  	[smem:$0x7FF] =	sst s2;
	s7 =	sshrl.u32 s0, $0x1;
	(pc) =	sbr.rel .LBB2_1-.Ltmp0, $4  }
0xb: {  	s26 =	sshll.u32 s4, $0xA;
	_ =	strace $0x80000047;
	s0 =	ssub.s32 s0, s7  }
0xc: {  	s5 =	sadd.s32 s5, s26;
	s7 =	simm.s32 $0x9;
	s26 =	simm.s32 $0x3  }
0xd: {  	s6 =	sadd.s32 s3, s1;
	s3 =	sadd.s32 $0x1A800, s1;
	s1 =	simm.s32 $0x8  }
0xe: {  	s4 =	sadd.s32 $0x800, s6;
	s6 =	smax.u32 s0, $0x1;
	s0 =	simm.s32 $0x13000  }
.LBB2_20:
0xf: {  	[tilespmem:s11+$0x130C0] =	vst v3  }
0x10: {  	[tilespmem:s11+$0x130D0] =	vst v2;
	s9 =	sadd.s32 $0x1, s9  }
0x11: {  	[tilespmem:s11+$0x130E0] =	vst v1;
	p0 =	sne.s32 s9, s6  }
.Ltmp1:
0x12: {  	[tilespmem:s11+$0x130F0] =	vst v0;
	(pc) =	sbr.rel @!p0 .LBB2_21-.Ltmp1, $4  }
0x13: {  	[hbm4b:s5+s2] =	stream.linear.scatter [tilespmem:s0], [sflag:$0x9], $0x2000, $0x38;
	[tilespmem:$0x15000] =	vst v63  }
0x14: {  	_ =	swait.ge [sflag:s7], $0x2000  }
0x15: {  	[sflag:s7] =	ssyncset.done $0x0  }
0x16: {  	[sflag:s7] =	ssyncadd.s32 $0xFFFFE000  }
.LBB2_1:
0x17: {  	[tilespmem:s2], [sflag:$0x9] =	stream.linear.gather [hbm4b:s4+s2], $0x6800, $0x38;
	[tilespmem:$0x15000] =	vst v63  }
0x18: {  	_ =	swait.ge [sflag:s7], $0x6800  }
0x19: {  	[sflag:s7] =	ssyncset.done $0x0  }
0x1a: {  	s10 =	simm.s32 $0x6800;
	[sflag:s7] =	ssyncadd.s32 $0xFFFF9800  }
0x1b: {  	[tilespmem:s10], [sflag:$0x1] =	stream.indirect.gather [hbm4b:s3+s8], $0x40, s2, s8, $0xb8;
	[tilespmem:$0x15000] =	vst v63  }
0x1c: {  	s15 =	simm.s32 $0x68;
	s11 =	simm.s32 $0x8100  }
0x1d: {  	[tilespmem:s11], [sflag:$0x2] =	stream.indirect.gather [hbm4b:s3+s8], $0x40, s15, s8, $0xb8;
	[tilespmem:$0x15000] =	vst v63  }
0x1e: {  	s12 =	simm.s32 $0xD0;
	s13 =	simm.s32 $0x9A00  }
0x1f: {  	[tilespmem:s13], [sflag:$0x3] =	stream.indirect.gather [hbm4b:s3+s8], $0x40, s12, s8, $0xb8;
	[tilespmem:$0x15000] =	vst v63  }
0x20: {  	s14 =	simm.s32 $0x138;
	s15 =	simm.s32 $0xB300  }
0x21: {  	[tilespmem:s15], [sflag:$0x4] =	stream.indirect.gather [hbm4b:s3+s8], $0x40, s14, s8, $0xb8;
	[tilespmem:$0x15000] =	vst v63  }
0x22: {  	_ = 	snop  }
0x23: {  	[tilespmem:s17], [sflag:$0x5] =	stream.indirect.gather [hbm4b:s3+s8], $0x40, s16, s8, $0xb8;
	[tilespmem:$0x15000] =	vst v63  }
0x24: {  	_ = 	snop  }
0x25: {  	[tilespmem:s19], [sflag:$0x6] =	stream.indirect.gather [hbm4b:s3+s8], $0x40, s18, s8, $0xb8;
	[tilespmem:$0x15000] =	vst v63  }
0x26: {  	_ = 	snop  }
0x27: {  	[tilespmem:s21], [sflag:$0x7] =	stream.indirect.gather [hbm4b:s3+s8], $0x40, s20, s8, $0xb8;
	[tilespmem:$0x15000] =	vst v63  }
0x28: {  	s10 =	simm.s32 $0x0  }
0x29: {  	[tilespmem:s23], [sflag:$0x8] =	stream.indirect.gather [hbm4b:s3+s8], $0x40, s22, s8, $0xb8;
	[tilespmem:$0x15000] =	vst v63  }
.LBB2_2:
0x2a: {  	_ =	swait.ge [sflag:s24], $0x1900  }
0x2b: {  	[sflag:s24] =	ssyncset.done $0x0  }
0x2c: {  	s11 =	simm.s32 $0x0;
	[sflag:s24] =	ssyncadd.s32 $0xFFFFE700  }
0x2d: {  	v0 =	vld [tilespmem:s11+$0x6900]  }
0x2e: {  	v2 =	vld [tilespmem:s11+$0x6910]  }
0x2f: {  	v4 =	vld [tilespmem:s11+$0x68C0]  }
0x30: {  	v5 =	vld [tilespmem:s11+$0x68D0]  }
0x31: {  	v8 =	vld [tilespmem:s11+$0x6880]  }
0x32: {  	v9 =	vld [tilespmem:s11+$0x6890]  }
0x33: {  	v7 =	vld [tilespmem:s11+$0x6840]  }
0x34: {  	v10 =	vld [tilespmem:s11+$0x6850]  }
0x35: {  	v13 =	vld [tilespmem:s11+$0x6800]  }
0x36: {  	v3 =	vimm.f32 $0.0e+00;
	v15 =	vld [tilespmem:s11+$0x6810]  }
0x37: {  	s12 =	simm.s32 $0x500;
	v12 =	vimm.f32 $0.0e+00;
	v6 =	vimm.f32 $0.0e+00;
	v11 =	vimm.f32 $0.0e+00;
	v14 =	vld [tilespmem:s11+$0x6820]  }
.LBB2_3:
0x38: {  	p0 =	sne.s32 s12, $0x5F00;
	v1 =	vld [tilespmem:s11+$0x6830]  }
0x39: {  	v16 =	vld [tilespmem:s11+$0x6860]  }
0x3a: {  	v17 =	vld [tilespmem:s11+$0x6870]  }
0x3b: {  	v18 =	vld [tilespmem:s11+$0x68A0]  }
0x3c: {  	v3 =	vadd.f32 v13, v3;
	v12 =	vadd.f32 v15, v12;
	v13 =	vld [tilespmem:s11+$0x68B0]  }
0x3d: {  	v6 =	vadd.f32 v14, v6;
	v1 =	vadd.f32 v1, v11;
	v11 =	vld [tilespmem:s11+$0x68E0]  }
0x3e: {  	v3 =	vadd.f32 v7, v3;
	v7 =	vadd.f32 v10, v12;
	v10 =	vld [tilespmem:s11+$0x68F0]  }
0x3f: {  	v6 =	vadd.f32 v16, v6;
	v1 =	vadd.f32 v17, v1;
	v14 =	vld [tilespmem:s11+$0x6920]  }
0x40: {  	v3 =	vadd.f32 v8, v3;
	v7 =	vadd.f32 v9, v7;
	v9 =	vld [tilespmem:s11+$0x6930];
	s11 =	sshra.s32 s12, $0x2  }
0x41: {  	v6 =	vadd.f32 v18, v6;
	v15 =	vld [tilespmem:s11+$0x6900];
	v1 =	vadd.f32 v13, v1  }
0x42: {  	v3 =	vadd.f32 v4, v3;
	v7 =	vadd.f32 v5, v7;
	v13 =	vld [tilespmem:s11+$0x6910]  }
0x43: {  	v6 =	vadd.f32 v11, v6;
	v4 =	vld [tilespmem:s11+$0x68C0];
	v1 =	vadd.f32 v10, v1  }
0x44: {  	v3 =	vadd.f32 v0, v3;
	v12 =	vadd.f32 v2, v7;
	v5 =	vld [tilespmem:s11+$0x68D0]  }
0x45: {  	v6 =	vadd.f32 v14, v6;
	v8 =	vld [tilespmem:s11+$0x6880];
	v11 =	vadd.f32 v9, v1  }
0x46: {  	v9 =	vld [tilespmem:s11+$0x6890];
	v0 =	vmov v15  }
.Ltmp2:
0x47: {  	v7 =	vld [tilespmem:s11+$0x6840];
	v2 =	vmov v13;
	(pc) =	sbr.rel @p0 .LBB2_3-.Ltmp2, $4  }
0x48: {  	v10 =	vld [tilespmem:s11+$0x6850]  }
0x49: {  	v13 =	vld [tilespmem:s11+$0x6800]  }
0x4a: {  	v15 =	vld [tilespmem:s11+$0x6810]  }
0x4b: {  	s12 =	sadd.s32 $0x500, s12;
	v14 =	vld [tilespmem:s11+$0x6820]  }
0x4c: {  	v16 =	vld [tilespmem:s11+$0x6830]  }
0x4d: {  	v17 =	vld [tilespmem:s11+$0x6860]  }
0x4e: {  	v18 =	vld [tilespmem:s11+$0x6870]  }
0x4f: {  	v19 =	vld [tilespmem:s11+$0x68A0]  }
0x50: {  	v20 =	vld [tilespmem:s11+$0x68B0];
	p0 =	seq.s32 s10, $0x1F  }
0x51: {  	v21 =	vld [tilespmem:s11+$0x68E0];
	s12 =	smul.u32 @!p0 $0xD00, s10  }
0x52: {  	v22 =	vld [tilespmem:s11+$0x68F0]  }
0x53: {  	v23 =	vld [tilespmem:s11+$0x6920];
	s12 =	sshra.s32 @!p0 s12, $0x2  }
0x54: {  	v24 =	vld [tilespmem:s11+$0x6930];
	s13 =	simm.s32 @!p0 $0x64;
	s14 =	simm.s32 @!p0 $0x6800;
	s11 =	sadd.s32 @!p0 $0x340, s12  }
0x55: {  	[tilespmem:s14], [sflag:$0x1] =	stream.indirect.gather @!p0 [hbm4b:s3+s13], $0x40, s11, s13, $0xb8;
	[tilespmem:$0x15000] =	vst v63  }
0x56: {  	_ =	swait.ge [sflag:s25], $0x1900  }
0x57: {  	[sflag:s25] =	ssyncset.done $0x0  }
0x58: {  	s11 =	simm.s32 $0x0;
	[sflag:s25] =	ssyncadd.s32 $0xFFFFE700  }
0x59: {  	v1 =	vld [tilespmem:s11+$0x8200]  }
0x5a: {  	v13 =	vadd.f32 v13, v3;
	v12 =	vadd.f32 v15, v12;
	v3 =	vld [tilespmem:s11+$0x8210]  }
0x5b: {  	v14 =	vadd.f32 v14, v6;
	v11 =	vadd.f32 v16, v11;
	v6 =	vld [tilespmem:s11+$0x81C0]  }
0x5c: {  	v13 =	vadd.f32 v7, v13;
	v12 =	vadd.f32 v10, v12;
	v7 =	vld [tilespmem:s11+$0x81D0]  }
0x5d: {  	v14 =	vadd.f32 v17, v14;
	v11 =	vadd.f32 v18, v11;
	v10 =	vld [tilespmem:s11+$0x8180]  }
0x5e: {  	v13 =	vadd.f32 v8, v13;
	v12 =	vadd.f32 v9, v12;
	v8 =	vld [tilespmem:s11+$0x8190]  }
0x5f: {  	v14 =	vadd.f32 v19, v14;
	v11 =	vadd.f32 v20, v11;
	v9 =	vld [tilespmem:s11+$0x8140]  }
0x60: {  	v13 =	vadd.f32 v4, v13;
	v5 =	vadd.f32 v5, v12;
	v4 =	vld [tilespmem:s11+$0x8150]  }
0x61: {  	v12 =	vld [tilespmem:s11+$0x8100];
	v14 =	vadd.f32 v21, v14;
	v15 =	vadd.f32 v22, v11  }
0x62: {  	v11 =	vadd.f32 v0, v13;
	v2 =	vadd.f32 v2, v5;
	v13 =	vld [tilespmem:s11+$0x8110]  }
0x63: {  	s13 =	simm.s32 $0x500;
	v5 =	vadd.f32 v23, v14;
	v14 =	vld [tilespmem:s11+$0x8120];
	v0 =	vadd.f32 v24, v15  }
.LBB2_5:
0x64: {  	p1 =	sne.s32 s13, $0x5F00;
	v15 =	vld [tilespmem:s11+$0x8130]  }
0x65: {  	v16 =	vld [tilespmem:s11+$0x8160]  }
0x66: {  	v17 =	vld [tilespmem:s11+$0x8170]  }
0x67: {  	v18 =	vld [tilespmem:s11+$0x81A0]  }
0x68: {  	v11 =	vadd.f32 v12, v11;
	v2 =	vadd.f32 v13, v2;
	v12 =	vld [tilespmem:s11+$0x81B0]  }
0x69: {  	v5 =	vadd.f32 v14, v5;
	v0 =	vadd.f32 v15, v0;
	v13 =	vld [tilespmem:s11+$0x81E0]  }
0x6a: {  	v9 =	vadd.f32 v9, v11;
	v2 =	vadd.f32 v4, v2;
	v4 =	vld [tilespmem:s11+$0x81F0]  }
0x6b: {  	v5 =	vadd.f32 v16, v5;
	v0 =	vadd.f32 v17, v0;
	v14 =	vld [tilespmem:s11+$0x8220]  }
0x6c: {  	v9 =	vadd.f32 v10, v9;
	v2 =	vadd.f32 v8, v2;
	v8 =	vld [tilespmem:s11+$0x8230];
	s11 =	sshra.s32 s13, $0x2  }
0x6d: {  	v5 =	vadd.f32 v18, v5;
	v15 =	vld [tilespmem:s11+$0x8200];
	v0 =	vadd.f32 v12, v0  }
0x6e: {  	v9 =	vadd.f32 v6, v9;
	v2 =	vadd.f32 v7, v2;
	v12 =	vld [tilespmem:s11+$0x8210]  }
0x6f: {  	v5 =	vadd.f32 v13, v5;
	v6 =	vld [tilespmem:s11+$0x81C0];
	v0 =	vadd.f32 v4, v0  }
0x70: {  	v11 =	vadd.f32 v1, v9;
	v2 =	vadd.f32 v3, v2;
	v7 =	vld [tilespmem:s11+$0x81D0]  }
0x71: {  	v5 =	vadd.f32 v14, v5;
	v10 =	vld [tilespmem:s11+$0x8180];
	v0 =	vadd.f32 v8, v0  }
0x72: {  	v8 =	vld [tilespmem:s11+$0x8190];
	v1 =	vmov v15  }
.Ltmp3:
0x73: {  	v9 =	vld [tilespmem:s11+$0x8140];
	v3 =	vmov v12;
	(pc) =	sbr.rel @p1 .LBB2_5-.Ltmp3, $4  }
0x74: {  	v4 =	vld [tilespmem:s11+$0x8150]  }
0x75: {  	v12 =	vld [tilespmem:s11+$0x8100]  }
0x76: {  	v13 =	vld [tilespmem:s11+$0x8110]  }
0x77: {  	s13 =	sadd.s32 $0x500, s13;
	v14 =	vld [tilespmem:s11+$0x8120]  }
0x78: {  	v15 =	vld [tilespmem:s11+$0x8130]  }
0x79: {  	v16 =	vld [tilespmem:s11+$0x8160]  }
0x7a: {  	v17 =	vld [tilespmem:s11+$0x8170];
	v11 =	vadd.f32 v12, v11  }
0x7b: {  	v12 =	vld [tilespmem:s11+$0x81A0];
	v2 =	vadd.f32 v13, v2  }
0x7c: {  	v13 =	vld [tilespmem:s11+$0x81B0];
	v5 =	vadd.f32 v14, v5;
	v9 =	vadd.f32 v9, v11  }
0x7d: {  	v11 =	vld [tilespmem:s11+$0x81E0];
	v0 =	vadd.f32 v15, v0;
	v2 =	vadd.f32 v4, v2  }
0x7e: {  	v4 =	vld [tilespmem:s11+$0x81F0];
	v5 =	vadd.f32 v16, v5;
	v9 =	vadd.f32 v10, v9  }
0x7f: {  	v10 =	vld [tilespmem:s11+$0x8220];
	v0 =	vadd.f32 v17, v0;
	v2 =	vadd.f32 v8, v2  }
0x80: {  	s13 =	simm.s32 @!p0 $0x64;
	v8 =	vld [tilespmem:s11+$0x8230];
	v5 =	vadd.f32 v12, v5;
	v6 =	vadd.f32 v6, v9  }
0x81: {  	s14 =	simm.s32 @!p0 $0x8100;
	s15 =	sshll.u32 s10, $0x8;
	s11 =	sadd.s32 @!p0 $0x3A8, s12;
	v0 =	vadd.f32 v13, v0;
	v2 =	vadd.f32 v7, v2  }
0x82: {  	[tilespmem:s14], [sflag:$0x2] =	stream.indirect.gather @!p0 [hbm4b:s3+s13], $0x40, s11, s13, $0xb8;
	v5 =	vadd.f32 v11, v5;
	v1 =	vadd.f32 v1, v6;
	[tilespmem:$0x15000] =	vst v63  }
0x83: {  	s11 =	sand.u32 $0x3FFFFF00, s15;
	v0 =	vadd.f32 v4, v0;
	v2 =	vadd.f32 v3, v2  }
0x84: {  	v3 =	vadd.f32 v10, v5;
	[tilespmem:s11+$0x13000] =	vst v1  }
0x85: {  	v0 =	vadd.f32 v8, v0;
	[tilespmem:s11+$0x13010] =	vst v2  }
0x86: {  	[tilespmem:s11+$0x13020] =	vst v3  }
0x87: {  	[tilespmem:s11+$0x13030] =	vst v0  }
0x88: {  	_ =	swait.ge [sflag:s26], $0x1900  }
0x89: {  	[sflag:s26] =	ssyncset.done $0x0  }
0x8a: {  	s13 =	simm.s32 $0x0;
	[sflag:s26] =	ssyncadd.s32 $0xFFFFE700  }
0x8b: {  	v0 =	vld [tilespmem:s13+$0x9B00]  }
0x8c: {  	v1 =	vld [tilespmem:s13+$0x9B10]  }
0x8d: {  	v4 =	vld [tilespmem:s13+$0x9AC0]  }
0x8e: {  	v5 =	vld [tilespmem:s13+$0x9AD0]  }
0x8f: {  	v8 =	vld [tilespmem:s13+$0x9A80]  }
0x90: {  	v9 =	vld [tilespmem:s13+$0x9A90]  }
0x91: {  	v7 =	vld [tilespmem:s13+$0x9A40]  }
0x92: {  	v10 =	vld [tilespmem:s13+$0x9A50]  }
0x93: {  	v13 =	vld [tilespmem:s13+$0x9A00]  }
0x94: {  	v12 =	vimm.f32 $0.0e+00;
	v15 =	vld [tilespmem:s13+$0x9A10]  }
0x95: {  	s14 =	simm.s32 $0x500;
	v6 =	vimm.f32 $0.0e+00;
	v11 =	vimm.f32 $0.0e+00;
	v3 =	vimm.f32 $0.0e+00;
	v14 =	vld [tilespmem:s13+$0x9A20]  }
.LBB2_7:
0x96: {  	p1 =	sne.s32 s14, $0x5F00;
	v2 =	vld [tilespmem:s13+$0x9A30]  }
0x97: {  	v16 =	vld [tilespmem:s13+$0x9A60]  }
0x98: {  	v17 =	vld [tilespmem:s13+$0x9A70]  }
0x99: {  	v18 =	vld [tilespmem:s13+$0x9AA0]  }
0x9a: {  	v3 =	vadd.f32 v13, v3;
	v12 =	vadd.f32 v15, v12;
	v13 =	vld [tilespmem:s13+$0x9AB0]  }
0x9b: {  	v6 =	vadd.f32 v14, v6;
	v2 =	vadd.f32 v2, v11;
	v11 =	vld [tilespmem:s13+$0x9AE0]  }
0x9c: {  	v3 =	vadd.f32 v7, v3;
	v7 =	vadd.f32 v10, v12;
	v10 =	vld [tilespmem:s13+$0x9AF0]  }
0x9d: {  	v6 =	vadd.f32 v16, v6;
	v2 =	vadd.f32 v17, v2;
	v14 =	vld [tilespmem:s13+$0x9B20]  }
0x9e: {  	v3 =	vadd.f32 v8, v3;
	v7 =	vadd.f32 v9, v7;
	v9 =	vld [tilespmem:s13+$0x9B30];
	s13 =	sshra.s32 s14, $0x2  }
0x9f: {  	v6 =	vadd.f32 v18, v6;
	v15 =	vld [tilespmem:s13+$0x9B00];
	v2 =	vadd.f32 v13, v2  }
0xa0: {  	v3 =	vadd.f32 v4, v3;
	v7 =	vadd.f32 v5, v7;
	v13 =	vld [tilespmem:s13+$0x9B10]  }
0xa1: {  	v6 =	vadd.f32 v11, v6;
	v4 =	vld [tilespmem:s13+$0x9AC0];
	v2 =	vadd.f32 v10, v2  }
0xa2: {  	v3 =	vadd.f32 v0, v3;
	v12 =	vadd.f32 v1, v7;
	v5 =	vld [tilespmem:s13+$0x9AD0]  }
0xa3: {  	v6 =	vadd.f32 v14, v6;
	v8 =	vld [tilespmem:s13+$0x9A80];
	v11 =	vadd.f32 v9, v2  }
0xa4: {  	v9 =	vld [tilespmem:s13+$0x9A90];
	v0 =	vmov v15  }
.Ltmp4:
0xa5: {  	v7 =	vld [tilespmem:s13+$0x9A40];
	v1 =	vmov v13;
	(pc) =	sbr.rel @p1 .LBB2_7-.Ltmp4, $4  }
0xa6: {  	v10 =	vld [tilespmem:s13+$0x9A50]  }
0xa7: {  	v13 =	vld [tilespmem:s13+$0x9A00]  }
0xa8: {  	v15 =	vld [tilespmem:s13+$0x9A10]  }
0xa9: {  	s14 =	sadd.s32 $0x500, s14;
	v14 =	vld [tilespmem:s13+$0x9A20]  }
0xaa: {  	v16 =	vld [tilespmem:s13+$0x9A30]  }
0xab: {  	v17 =	vld [tilespmem:s13+$0x9A60]  }
0xac: {  	v18 =	vld [tilespmem:s13+$0x9A70]  }
0xad: {  	v19 =	vld [tilespmem:s13+$0x9AA0]  }
0xae: {  	v20 =	vld [tilespmem:s13+$0x9AB0]  }
0xaf: {  	v21 =	vld [tilespmem:s13+$0x9AE0]  }
0xb0: {  	v22 =	vld [tilespmem:s13+$0x9AF0]  }
0xb1: {  	v23 =	vld [tilespmem:s13+$0x9B20]  }
0xb2: {  	v24 =	vld [tilespmem:s13+$0x9B30];
	s13 =	sadd.s32 @!p0 $0x410, s12;
	s14 =	simm.s32 @!p0 $0x64;
	s15 =	simm.s32 @!p0 $0x9A00  }
0xb3: {  	[tilespmem:s15], [sflag:$0x3] =	stream.indirect.gather @!p0 [hbm4b:s3+s14], $0x40, s13, s14, $0xb8;
	[tilespmem:$0x15000] =	vst v63  }
0xb4: {  	_ =	swait.ge [sflag:s28], $0x1900  }
0xb5: {  	[sflag:s28] =	ssyncset.done $0x0  }
0xb6: {  	s13 =	simm.s32 $0x0;
	[sflag:s28] =	ssyncadd.s32 $0xFFFFE700  }
0xb7: {  	v2 =	vld [tilespmem:s13+$0xB400]  }
0xb8: {  	v13 =	vadd.f32 v13, v3;
	v12 =	vadd.f32 v15, v12;
	v3 =	vld [tilespmem:s13+$0xB410]  }
0xb9: {  	v14 =	vadd.f32 v14, v6;
	v11 =	vadd.f32 v16, v11;
	v6 =	vld [tilespmem:s13+$0xB3C0]  }
0xba: {  	v13 =	vadd.f32 v7, v13;
	v12 =	vadd.f32 v10, v12;
	v7 =	vld [tilespmem:s13+$0xB3D0]  }
0xbb: {  	v10 =	vld [tilespmem:s13+$0xB380];
	v14 =	vadd.f32 v17, v14;
	v11 =	vadd.f32 v18, v11  }
0xbc: {  	v13 =	vadd.f32 v8, v13;
	v8 =	vld [tilespmem:s13+$0xB390];
	v12 =	vadd.f32 v9, v12  }
0xbd: {  	v9 =	vld [tilespmem:s13+$0xB340];
	v14 =	vadd.f32 v19, v14;
	v11 =	vadd.f32 v20, v11  }
0xbe: {  	v13 =	vadd.f32 v4, v13;
	v4 =	vld [tilespmem:s13+$0xB350];
	v5 =	vadd.f32 v5, v12  }
0xbf: {  	v12 =	vld [tilespmem:s13+$0xB300];
	v14 =	vadd.f32 v21, v14;
	v15 =	vadd.f32 v22, v11  }
0xc0: {  	v11 =	vadd.f32 v0, v13;
	v1 =	vadd.f32 v1, v5;
	v13 =	vld [tilespmem:s13+$0xB310]  }
0xc1: {  	s14 =	simm.s32 $0x500;
	v5 =	vadd.f32 v23, v14;
	v14 =	vld [tilespmem:s13+$0xB320];
	v0 =	vadd.f32 v24, v15  }
.LBB2_9:
0xc2: {  	p1 =	sne.s32 s14, $0x5F00;
	v15 =	vld [tilespmem:s13+$0xB330]  }
0xc3: {  	v16 =	vld [tilespmem:s13+$0xB360]  }
0xc4: {  	v17 =	vld [tilespmem:s13+$0xB370]  }
0xc5: {  	v18 =	vld [tilespmem:s13+$0xB3A0]  }
0xc6: {  	v11 =	vadd.f32 v12, v11;
	v1 =	vadd.f32 v13, v1;
	v12 =	vld [tilespmem:s13+$0xB3B0]  }
0xc7: {  	v5 =	vadd.f32 v14, v5;
	v0 =	vadd.f32 v15, v0;
	v13 =	vld [tilespmem:s13+$0xB3E0]  }
0xc8: {  	v9 =	vadd.f32 v9, v11;
	v1 =	vadd.f32 v4, v1;
	v4 =	vld [tilespmem:s13+$0xB3F0]  }
0xc9: {  	v5 =	vadd.f32 v16, v5;
	v0 =	vadd.f32 v17, v0;
	v14 =	vld [tilespmem:s13+$0xB420]  }
0xca: {  	v9 =	vadd.f32 v10, v9;
	v1 =	vadd.f32 v8, v1;
	v8 =	vld [tilespmem:s13+$0xB430];
	s13 =	sshra.s32 s14, $0x2  }
0xcb: {  	v5 =	vadd.f32 v18, v5;
	v15 =	vld [tilespmem:s13+$0xB400];
	v0 =	vadd.f32 v12, v0  }
0xcc: {  	v9 =	vadd.f32 v6, v9;
	v1 =	vadd.f32 v7, v1;
	v12 =	vld [tilespmem:s13+$0xB410]  }
0xcd: {  	v5 =	vadd.f32 v13, v5;
	v6 =	vld [tilespmem:s13+$0xB3C0];
	v0 =	vadd.f32 v4, v0  }
0xce: {  	v11 =	vadd.f32 v2, v9;
	v1 =	vadd.f32 v3, v1;
	v7 =	vld [tilespmem:s13+$0xB3D0]  }
0xcf: {  	v5 =	vadd.f32 v14, v5;
	v10 =	vld [tilespmem:s13+$0xB380];
	v0 =	vadd.f32 v8, v0  }
0xd0: {  	v8 =	vld [tilespmem:s13+$0xB390];
	v2 =	vmov v15  }
.Ltmp5:
0xd1: {  	v9 =	vld [tilespmem:s13+$0xB340];
	v3 =	vmov v12;
	(pc) =	sbr.rel @p1 .LBB2_9-.Ltmp5, $4  }
0xd2: {  	v4 =	vld [tilespmem:s13+$0xB350]  }
0xd3: {  	v12 =	vld [tilespmem:s13+$0xB300]  }
0xd4: {  	v13 =	vld [tilespmem:s13+$0xB310]  }
0xd5: {  	s14 =	sadd.s32 $0x500, s14;
	v14 =	vld [tilespmem:s13+$0xB320]  }
0xd6: {  	v15 =	vld [tilespmem:s13+$0xB330]  }
0xd7: {  	v16 =	vld [tilespmem:s13+$0xB360]  }
0xd8: {  	v17 =	vld [tilespmem:s13+$0xB370];
	v11 =	vadd.f32 v12, v11  }
0xd9: {  	v12 =	vld [tilespmem:s13+$0xB3A0];
	v1 =	vadd.f32 v13, v1  }
0xda: {  	v13 =	vld [tilespmem:s13+$0xB3B0];
	v5 =	vadd.f32 v14, v5;
	v9 =	vadd.f32 v9, v11  }
0xdb: {  	v11 =	vld [tilespmem:s13+$0xB3E0];
	v0 =	vadd.f32 v15, v0;
	v1 =	vadd.f32 v4, v1  }
0xdc: {  	v4 =	vld [tilespmem:s13+$0xB3F0];
	v5 =	vadd.f32 v16, v5;
	v9 =	vadd.f32 v10, v9  }
0xdd: {  	v10 =	vld [tilespmem:s13+$0xB420];
	v0 =	vadd.f32 v17, v0;
	v1 =	vadd.f32 v8, v1  }
0xde: {  	v8 =	vld [tilespmem:s13+$0xB430];
	v5 =	vadd.f32 v12, v5;
	v6 =	vadd.f32 v6, v9  }
0xdf: {  	v0 =	vadd.f32 v13, v0;
	v1 =	vadd.f32 v7, v1  }
0xe0: {  	s14 =	simm.s32 @!p0 $0x64;
	s15 =	simm.s32 @!p0 $0xB300;
	s13 =	sadd.s32 @!p0 $0x478, s12;
	v5 =	vadd.f32 v11, v5;
	v2 =	vadd.f32 v2, v6  }
0xe1: {  	[tilespmem:s15], [sflag:$0x4] =	stream.indirect.gather @!p0 [hbm4b:s3+s14], $0x40, s13, s14, $0xb8;
	v0 =	vadd.f32 v4, v0;
	v1 =	vadd.f32 v3, v1;
	[tilespmem:$0x15000] =	vst v63  }
0xe2: {  	v3 =	vadd.f32 v10, v5;
	[tilespmem:s11+$0x13040] =	vst v2  }
0xe3: {  	v0 =	vadd.f32 v8, v0;
	[tilespmem:s11+$0x13050] =	vst v1  }
0xe4: {  	[tilespmem:s11+$0x13060] =	vst v3  }
0xe5: {  	[tilespmem:s11+$0x13070] =	vst v0  }
0xe6: {  	_ =	swait.ge [sflag:s29], $0x1900  }
0xe7: {  	[sflag:s29] =	ssyncset.done $0x0  }
0xe8: {  	s13 =	simm.s32 $0x0;
	[sflag:s29] =	ssyncadd.s32 $0xFFFFE700  }
0xe9: {  	v0 =	vld [tilespmem:s13+$0xCD00]  }
0xea: {  	v1 =	vld [tilespmem:s13+$0xCD10]  }
0xeb: {  	v4 =	vld [tilespmem:s13+$0xCCC0]  }
0xec: {  	v5 =	vld [tilespmem:s13+$0xCCD0]  }
0xed: {  	v8 =	vld [tilespmem:s13+$0xCC80]  }
0xee: {  	v9 =	vld [tilespmem:s13+$0xCC90]  }
0xef: {  	v7 =	vld [tilespmem:s13+$0xCC40]  }
0xf0: {  	v10 =	vld [tilespmem:s13+$0xCC50]  }
0xf1: {  	v13 =	vld [tilespmem:s13+$0xCC00]  }
0xf2: {  	v12 =	vimm.f32 $0.0e+00;
	v15 =	vld [tilespmem:s13+$0xCC10]  }
0xf3: {  	s14 =	simm.s32 $0x500;
	v6 =	vimm.f32 $0.0e+00;
	v11 =	vimm.f32 $0.0e+00;
	v3 =	vimm.f32 $0.0e+00;
	v14 =	vld [tilespmem:s13+$0xCC20]  }
.LBB2_11:
0xf4: {  	p1 =	sne.s32 s14, $0x5F00;
	v2 =	vld [tilespmem:s13+$0xCC30]  }
0xf5: {  	v16 =	vld [tilespmem:s13+$0xCC60]  }
0xf6: {  	v17 =	vld [tilespmem:s13+$0xCC70]  }
0xf7: {  	v18 =	vld [tilespmem:s13+$0xCCA0]  }
0xf8: {  	v3 =	vadd.f32 v13, v3;
	v12 =	vadd.f32 v15, v12;
	v13 =	vld [tilespmem:s13+$0xCCB0]  }
0xf9: {  	v6 =	vadd.f32 v14, v6;
	v2 =	vadd.f32 v2, v11;
	v11 =	vld [tilespmem:s13+$0xCCE0]  }
0xfa: {  	v3 =	vadd.f32 v7, v3;
	v7 =	vadd.f32 v10, v12;
	v10 =	vld [tilespmem:s13+$0xCCF0]  }
0xfb: {  	v6 =	vadd.f32 v16, v6;
	v2 =	vadd.f32 v17, v2;
	v14 =	vld [tilespmem:s13+$0xCD20]  }
0xfc: {  	v3 =	vadd.f32 v8, v3;
	v7 =	vadd.f32 v9, v7;
	v9 =	vld [tilespmem:s13+$0xCD30];
	s13 =	sshra.s32 s14, $0x2  }
0xfd: {  	v6 =	vadd.f32 v18, v6;
	v15 =	vld [tilespmem:s13+$0xCD00];
	v2 =	vadd.f32 v13, v2  }
0xfe: {  	v3 =	vadd.f32 v4, v3;
	v7 =	vadd.f32 v5, v7;
	v13 =	vld [tilespmem:s13+$0xCD10]  }
0xff: {  	v6 =	vadd.f32 v11, v6;
	v4 =	vld [tilespmem:s13+$0xCCC0];
	v2 =	vadd.f32 v10, v2  }
0x100: {  	v3 =	vadd.f32 v0, v3;
	v12 =	vadd.f32 v1, v7;
	v5 =	vld [tilespmem:s13+$0xCCD0]  }
0x101: {  	v6 =	vadd.f32 v14, v6;
	v8 =	vld [tilespmem:s13+$0xCC80];
	v11 =	vadd.f32 v9, v2  }
0x102: {  	v9 =	vld [tilespmem:s13+$0xCC90];
	v0 =	vmov v15  }
.Ltmp6:
0x103: {  	v7 =	vld [tilespmem:s13+$0xCC40];
	v1 =	vmov v13;
	(pc) =	sbr.rel @p1 .LBB2_11-.Ltmp6, $4  }
0x104: {  	v10 =	vld [tilespmem:s13+$0xCC50]  }
0x105: {  	v13 =	vld [tilespmem:s13+$0xCC00]  }
0x106: {  	v15 =	vld [tilespmem:s13+$0xCC10]  }
0x107: {  	s14 =	sadd.s32 $0x500, s14;
	v14 =	vld [tilespmem:s13+$0xCC20]  }
0x108: {  	v16 =	vld [tilespmem:s13+$0xCC30]  }
0x109: {  	v17 =	vld [tilespmem:s13+$0xCC60]  }
0x10a: {  	v18 =	vld [tilespmem:s13+$0xCC70]  }
0x10b: {  	v19 =	vld [tilespmem:s13+$0xCCA0]  }
0x10c: {  	v20 =	vld [tilespmem:s13+$0xCCB0]  }
0x10d: {  	v21 =	vld [tilespmem:s13+$0xCCE0]  }
0x10e: {  	v22 =	vld [tilespmem:s13+$0xCCF0]  }
0x10f: {  	v23 =	vld [tilespmem:s13+$0xCD20]  }
0x110: {  	v24 =	vld [tilespmem:s13+$0xCD30];
	s13 =	sadd.s32 @!p0 $0x4E0, s12;
	s14 =	simm.s32 @!p0 $0x64;
	s15 =	simm.s32 @!p0 $0xCC00  }
0x111: {  	[tilespmem:s15], [sflag:$0x5] =	stream.indirect.gather @!p0 [hbm4b:s3+s14], $0x40, s13, s14, $0xb8;
	[tilespmem:$0x15000] =	vst v63  }
0x112: {  	_ =	swait.ge [sflag:s30], $0x1900  }
0x113: {  	[sflag:s30] =	ssyncset.done $0x0  }
0x114: {  	s13 =	simm.s32 $0x0;
	[sflag:s30] =	ssyncadd.s32 $0xFFFFE700  }
0x115: {  	v2 =	vld [tilespmem:s13+$0xE600]  }
0x116: {  	v13 =	vadd.f32 v13, v3;
	v12 =	vadd.f32 v15, v12;
	v3 =	vld [tilespmem:s13+$0xE610]  }
0x117: {  	v14 =	vadd.f32 v14, v6;
	v11 =	vadd.f32 v16, v11;
	v6 =	vld [tilespmem:s13+$0xE5C0]  }
0x118: {  	v13 =	vadd.f32 v7, v13;
	v12 =	vadd.f32 v10, v12;
	v7 =	vld [tilespmem:s13+$0xE5D0]  }
0x119: {  	v10 =	vld [tilespmem:s13+$0xE580];
	v14 =	vadd.f32 v17, v14;
	v11 =	vadd.f32 v18, v11  }
0x11a: {  	v13 =	vadd.f32 v8, v13;
	v8 =	vld [tilespmem:s13+$0xE590];
	v12 =	vadd.f32 v9, v12  }
0x11b: {  	v9 =	vld [tilespmem:s13+$0xE540];
	v14 =	vadd.f32 v19, v14;
	v11 =	vadd.f32 v20, v11  }
0x11c: {  	v13 =	vadd.f32 v4, v13;
	v4 =	vld [tilespmem:s13+$0xE550];
	v5 =	vadd.f32 v5, v12  }
0x11d: {  	v12 =	vld [tilespmem:s13+$0xE500];
	v14 =	vadd.f32 v21, v14;
	v15 =	vadd.f32 v22, v11  }
0x11e: {  	v11 =	vadd.f32 v0, v13;
	v1 =	vadd.f32 v1, v5;
	v13 =	vld [tilespmem:s13+$0xE510]  }
0x11f: {  	s14 =	simm.s32 $0x500;
	v5 =	vadd.f32 v23, v14;
	v14 =	vld [tilespmem:s13+$0xE520];
	v0 =	vadd.f32 v24, v15  }
.LBB2_13:
0x120: {  	p1 =	sne.s32 s14, $0x5F00;
	v15 =	vld [tilespmem:s13+$0xE530]  }
0x121: {  	v16 =	vld [tilespmem:s13+$0xE560]  }
0x122: {  	v17 =	vld [tilespmem:s13+$0xE570]  }
0x123: {  	v18 =	vld [tilespmem:s13+$0xE5A0]  }
0x124: {  	v11 =	vadd.f32 v12, v11;
	v1 =	vadd.f32 v13, v1;
	v12 =	vld [tilespmem:s13+$0xE5B0]  }
0x125: {  	v5 =	vadd.f32 v14, v5;
	v0 =	vadd.f32 v15, v0;
	v13 =	vld [tilespmem:s13+$0xE5E0]  }
0x126: {  	v9 =	vadd.f32 v9, v11;
	v1 =	vadd.f32 v4, v1;
	v4 =	vld [tilespmem:s13+$0xE5F0]  }
0x127: {  	v5 =	vadd.f32 v16, v5;
	v0 =	vadd.f32 v17, v0;
	v14 =	vld [tilespmem:s13+$0xE620]  }
0x128: {  	v9 =	vadd.f32 v10, v9;
	v1 =	vadd.f32 v8, v1;
	v8 =	vld [tilespmem:s13+$0xE630];
	s13 =	sshra.s32 s14, $0x2  }
0x129: {  	v5 =	vadd.f32 v18, v5;
	v15 =	vld [tilespmem:s13+$0xE600];
	v0 =	vadd.f32 v12, v0  }
0x12a: {  	v9 =	vadd.f32 v6, v9;
	v1 =	vadd.f32 v7, v1;
	v12 =	vld [tilespmem:s13+$0xE610]  }
0x12b: {  	v5 =	vadd.f32 v13, v5;
	v6 =	vld [tilespmem:s13+$0xE5C0];
	v0 =	vadd.f32 v4, v0  }
0x12c: {  	v11 =	vadd.f32 v2, v9;
	v1 =	vadd.f32 v3, v1;
	v7 =	vld [tilespmem:s13+$0xE5D0]  }
0x12d: {  	v5 =	vadd.f32 v14, v5;
	v10 =	vld [tilespmem:s13+$0xE580];
	v0 =	vadd.f32 v8, v0  }
0x12e: {  	v8 =	vld [tilespmem:s13+$0xE590];
	v2 =	vmov v15  }
.Ltmp7:
0x12f: {  	v9 =	vld [tilespmem:s13+$0xE540];
	v3 =	vmov v12;
	(pc) =	sbr.rel @p1 .LBB2_13-.Ltmp7, $4  }
0x130: {  	v4 =	vld [tilespmem:s13+$0xE550]  }
0x131: {  	v12 =	vld [tilespmem:s13+$0xE500]  }
0x132: {  	v13 =	vld [tilespmem:s13+$0xE510]  }
0x133: {  	s14 =	sadd.s32 $0x500, s14;
	v14 =	vld [tilespmem:s13+$0xE520]  }
0x134: {  	v15 =	vld [tilespmem:s13+$0xE530]  }
0x135: {  	v16 =	vld [tilespmem:s13+$0xE560]  }
0x136: {  	v17 =	vld [tilespmem:s13+$0xE570];
	v11 =	vadd.f32 v12, v11  }
0x137: {  	v12 =	vld [tilespmem:s13+$0xE5A0];
	v1 =	vadd.f32 v13, v1  }
0x138: {  	v13 =	vld [tilespmem:s13+$0xE5B0];
	v5 =	vadd.f32 v14, v5;
	v9 =	vadd.f32 v9, v11  }
0x139: {  	v11 =	vld [tilespmem:s13+$0xE5E0];
	v0 =	vadd.f32 v15, v0;
	v1 =	vadd.f32 v4, v1  }
0x13a: {  	v4 =	vld [tilespmem:s13+$0xE5F0];
	v5 =	vadd.f32 v16, v5;
	v9 =	vadd.f32 v10, v9  }
0x13b: {  	v10 =	vld [tilespmem:s13+$0xE620];
	v0 =	vadd.f32 v17, v0;
	v1 =	vadd.f32 v8, v1  }
0x13c: {  	v8 =	vld [tilespmem:s13+$0xE630];
	v5 =	vadd.f32 v12, v5;
	v6 =	vadd.f32 v6, v9  }
0x13d: {  	v0 =	vadd.f32 v13, v0;
	v1 =	vadd.f32 v7, v1  }
0x13e: {  	s14 =	simm.s32 @!p0 $0x64;
	s15 =	simm.s32 @!p0 $0xE500;
	s13 =	sadd.s32 @!p0 $0x548, s12;
	v5 =	vadd.f32 v11, v5;
	v2 =	vadd.f32 v2, v6  }
0x13f: {  	[tilespmem:s15], [sflag:$0x6] =	stream.indirect.gather @!p0 [hbm4b:s3+s14], $0x40, s13, s14, $0xb8;
	v0 =	vadd.f32 v4, v0;
	v1 =	vadd.f32 v3, v1;
	[tilespmem:$0x15000] =	vst v63  }
0x140: {  	v3 =	vadd.f32 v10, v5;
	[tilespmem:s11+$0x13080] =	vst v2  }
0x141: {  	v0 =	vadd.f32 v8, v0;
	[tilespmem:s11+$0x13090] =	vst v1  }
0x142: {  	[tilespmem:s11+$0x130A0] =	vst v3  }
0x143: {  	[tilespmem:s11+$0x130B0] =	vst v0  }
0x144: {  	_ =	swait.ge [sflag:s31], $0x1900  }
0x145: {  	[sflag:s31] =	ssyncset.done $0x0  }
0x146: {  	s13 =	simm.s32 $0x0;
	[sflag:s31] =	ssyncadd.s32 $0xFFFFE700  }
0x147: {  	v0 =	vld [tilespmem:s13+$0xFF00]  }
0x148: {  	v2 =	vld [tilespmem:s13+$0xFF10]  }
0x149: {  	v3 =	vld [tilespmem:s13+$0xFEC0]  }
0x14a: {  	v5 =	vld [tilespmem:s13+$0xFED0]  }
0x14b: {  	v8 =	vld [tilespmem:s13+$0xFE80]  }
0x14c: {  	v9 =	vld [tilespmem:s13+$0xFE90]  }
0x14d: {  	v7 =	vld [tilespmem:s13+$0xFE40]  }
0x14e: {  	v10 =	vld [tilespmem:s13+$0xFE50]  }
0x14f: {  	v13 =	vld [tilespmem:s13+$0xFE00]  }
0x150: {  	v12 =	vimm.f32 $0.0e+00;
	v15 =	vld [tilespmem:s13+$0xFE10]  }
0x151: {  	s14 =	simm.s32 $0x500;
	v6 =	vimm.f32 $0.0e+00;
	v11 =	vimm.f32 $0.0e+00;
	v4 =	vimm.f32 $0.0e+00;
	v14 =	vld [tilespmem:s13+$0xFE20]  }
.LBB2_15:
0x152: {  	p1 =	sne.s32 s14, $0x5F00;
	v1 =	vld [tilespmem:s13+$0xFE30]  }
0x153: {  	v16 =	vld [tilespmem:s13+$0xFE60]  }
0x154: {  	v17 =	vld [tilespmem:s13+$0xFE70]  }
0x155: {  	v18 =	vld [tilespmem:s13+$0xFEA0]  }
0x156: {  	v4 =	vadd.f32 v13, v4;
	v12 =	vadd.f32 v15, v12;
	v13 =	vld [tilespmem:s13+$0xFEB0]  }
0x157: {  	v6 =	vadd.f32 v14, v6;
	v1 =	vadd.f32 v1, v11;
	v11 =	vld [tilespmem:s13+$0xFEE0]  }
0x158: {  	v4 =	vadd.f32 v7, v4;
	v7 =	vadd.f32 v10, v12;
	v10 =	vld [tilespmem:s13+$0xFEF0]  }
0x159: {  	v6 =	vadd.f32 v16, v6;
	v1 =	vadd.f32 v17, v1;
	v14 =	vld [tilespmem:s13+$0xFF20]  }
0x15a: {  	v4 =	vadd.f32 v8, v4;
	v7 =	vadd.f32 v9, v7;
	v9 =	vld [tilespmem:s13+$0xFF30];
	s13 =	sshra.s32 s14, $0x2  }
0x15b: {  	v6 =	vadd.f32 v18, v6;
	v15 =	vld [tilespmem:s13+$0xFF00];
	v1 =	vadd.f32 v13, v1  }
0x15c: {  	v4 =	vadd.f32 v3, v4;
	v7 =	vadd.f32 v5, v7;
	v13 =	vld [tilespmem:s13+$0xFF10]  }
0x15d: {  	v6 =	vadd.f32 v11, v6;
	v3 =	vld [tilespmem:s13+$0xFEC0];
	v1 =	vadd.f32 v10, v1  }
0x15e: {  	v4 =	vadd.f32 v0, v4;
	v12 =	vadd.f32 v2, v7;
	v5 =	vld [tilespmem:s13+$0xFED0]  }
0x15f: {  	v6 =	vadd.f32 v14, v6;
	v8 =	vld [tilespmem:s13+$0xFE80];
	v11 =	vadd.f32 v9, v1  }
0x160: {  	v9 =	vld [tilespmem:s13+$0xFE90];
	v0 =	vmov v15  }
.Ltmp8:
0x161: {  	v7 =	vld [tilespmem:s13+$0xFE40];
	v2 =	vmov v13;
	(pc) =	sbr.rel @p1 .LBB2_15-.Ltmp8, $4  }
0x162: {  	v10 =	vld [tilespmem:s13+$0xFE50]  }
0x163: {  	v13 =	vld [tilespmem:s13+$0xFE00]  }
0x164: {  	v15 =	vld [tilespmem:s13+$0xFE10]  }
0x165: {  	s14 =	sadd.s32 $0x500, s14;
	v14 =	vld [tilespmem:s13+$0xFE20]  }
0x166: {  	v16 =	vld [tilespmem:s13+$0xFE30]  }
0x167: {  	v17 =	vld [tilespmem:s13+$0xFE60]  }
0x168: {  	v18 =	vld [tilespmem:s13+$0xFE70]  }
0x169: {  	v19 =	vld [tilespmem:s13+$0xFEA0]  }
0x16a: {  	v20 =	vld [tilespmem:s13+$0xFEB0]  }
0x16b: {  	v21 =	vld [tilespmem:s13+$0xFEE0]  }
0x16c: {  	v22 =	vld [tilespmem:s13+$0xFEF0]  }
0x16d: {  	v23 =	vld [tilespmem:s13+$0xFF20]  }
0x16e: {  	v24 =	vld [tilespmem:s13+$0xFF30];
	s12 =	sadd.s32 @!p0 $0x5B0, s12;
	s13 =	simm.s32 @!p0 $0x64;
	s14 =	simm.s32 @!p0 $0xFE00  }
0x16f: {  	[tilespmem:s14], [sflag:$0x7] =	stream.indirect.gather @!p0 [hbm4b:s3+s13], $0x40, s12, s13, $0xb8;
	[tilespmem:$0x15000] =	vst v63  }
0x170: {  	_ =	swait.ge [sflag:s1], $0x1900  }
0x171: {  	[sflag:s1] =	ssyncset.done $0x0  }
0x172: {  	s12 =	simm.s32 $0x0;
	[sflag:s1] =	ssyncadd.s32 $0xFFFFE700  }
0x173: {  	v1 =	vld [tilespmem:s12+$0x11800]  }
0x174: {  	v13 =	vadd.f32 v13, v4;
	v12 =	vadd.f32 v15, v12;
	v4 =	vld [tilespmem:s12+$0x11810]  }
0x175: {  	v14 =	vadd.f32 v14, v6;
	v11 =	vadd.f32 v16, v11;
	v6 =	vld [tilespmem:s12+$0x117C0]  }
0x176: {  	v13 =	vadd.f32 v7, v13;
	v12 =	vadd.f32 v10, v12;
	v7 =	vld [tilespmem:s12+$0x117D0]  }
0x177: {  	v10 =	vld [tilespmem:s12+$0x11780];
	v14 =	vadd.f32 v17, v14;
	v11 =	vadd.f32 v18, v11  }
0x178: {  	v13 =	vadd.f32 v8, v13;
	v8 =	vld [tilespmem:s12+$0x11790];
	v12 =	vadd.f32 v9, v12  }
0x179: {  	v9 =	vld [tilespmem:s12+$0x11740];
	v14 =	vadd.f32 v19, v14;
	v11 =	vadd.f32 v20, v11  }
0x17a: {  	v13 =	vadd.f32 v3, v13;
	v3 =	vld [tilespmem:s12+$0x11750];
	v5 =	vadd.f32 v5, v12  }
0x17b: {  	v12 =	vld [tilespmem:s12+$0x11700];
	v14 =	vadd.f32 v21, v14;
	v11 =	vadd.f32 v22, v11  }
0x17c: {  	v0 =	vadd.f32 v0, v13;
	v13 =	vld [tilespmem:s12+$0x11710];
	v2 =	vadd.f32 v2, v5  }
0x17d: {  	s13 =	simm.s32 $0x500;
	v5 =	vadd.f32 v23, v14;
	v14 =	vld [tilespmem:s12+$0x11720];
	v11 =	vadd.f32 v24, v11  }
.LBB2_17:
0x17e: {  	p1 =	sne.s32 s13, $0x5F00;
	v15 =	vld [tilespmem:s12+$0x11730]  }
0x17f: {  	v16 =	vld [tilespmem:s12+$0x11760]  }
0x180: {  	v17 =	vld [tilespmem:s12+$0x11770]  }
0x181: {  	v18 =	vld [tilespmem:s12+$0x117A0]  }
0x182: {  	v0 =	vadd.f32 v12, v0;
	v2 =	vadd.f32 v13, v2;
	v12 =	vld [tilespmem:s12+$0x117B0]  }
0x183: {  	v5 =	vadd.f32 v14, v5;
	v11 =	vadd.f32 v15, v11;
	v13 =	vld [tilespmem:s12+$0x117E0]  }
0x184: {  	v0 =	vadd.f32 v9, v0;
	v2 =	vadd.f32 v3, v2;
	v3 =	vld [tilespmem:s12+$0x117F0]  }
0x185: {  	v5 =	vadd.f32 v16, v5;
	v9 =	vadd.f32 v17, v11;
	v11 =	vld [tilespmem:s12+$0x11820]  }
0x186: {  	v0 =	vadd.f32 v10, v0;
	v2 =	vadd.f32 v8, v2;
	v8 =	vld [tilespmem:s12+$0x11830];
	s12 =	sshra.s32 s13, $0x2  }
0x187: {  	v5 =	vadd.f32 v18, v5;
	v14 =	vld [tilespmem:s12+$0x11800];
	v9 =	vadd.f32 v12, v9  }
0x188: {  	v0 =	vadd.f32 v6, v0;
	v2 =	vadd.f32 v7, v2;
	v12 =	vld [tilespmem:s12+$0x11810]  }
0x189: {  	v5 =	vadd.f32 v13, v5;
	v6 =	vld [tilespmem:s12+$0x117C0];
	v3 =	vadd.f32 v3, v9  }
0x18a: {  	v0 =	vadd.f32 v1, v0;
	v2 =	vadd.f32 v4, v2;
	v7 =	vld [tilespmem:s12+$0x117D0]  }
0x18b: {  	v5 =	vadd.f32 v11, v5;
	v10 =	vld [tilespmem:s12+$0x11780];
	v11 =	vadd.f32 v8, v3  }
0x18c: {  	v8 =	vld [tilespmem:s12+$0x11790];
	v1 =	vmov v14  }
.Ltmp9:
0x18d: {  	v9 =	vld [tilespmem:s12+$0x11740];
	v4 =	vmov v12;
	(pc) =	sbr.rel @p1 .LBB2_17-.Ltmp9, $4  }
0x18e: {  	v3 =	vld [tilespmem:s12+$0x11750]  }
0x18f: {  	v12 =	vld [tilespmem:s12+$0x11700]  }
0x190: {  	v13 =	vld [tilespmem:s12+$0x11710]  }
0x191: {  	s13 =	sadd.s32 $0x500, s13;
	v14 =	vld [tilespmem:s12+$0x11720]  }
0x192: {  	v15 =	vld [tilespmem:s12+$0x11730]  }
0x193: {  	v16 =	vld [tilespmem:s12+$0x11760]  }
0x194: {  	v17 =	vld [tilespmem:s12+$0x11770]  }
0x195: {  	v18 =	vld [tilespmem:s12+$0x117A0]  }
0x196: {  	v58 =	vld [tilespmem:s12+$0x117B0];
	v0 =	vadd.f32 v12, v0;
	v2 =	vadd.f32 v13, v2  }
0x197: {  	v59 =	vld [tilespmem:s12+$0x117E0];
	v5 =	vadd.f32 v14, v5;
	v11 =	vadd.f32 v15, v11  }
0x198: {  	v0 =	vadd.f32 v9, v0;
	v2 =	vadd.f32 v3, v2;
	v3 =	vld [tilespmem:s12+$0x117F0]  }
0x199: {  	v61 =	vld [tilespmem:s12+$0x11820];
	v5 =	vadd.f32 v16, v5;
	v60 =	vadd.f32 v17, v11  }
0x19a: {  	v62 =	vld [tilespmem:s12+$0x11830];
	v0 =	vadd.f32 v10, v0;
	v2 =	vadd.f32 v8, v2  }
.Ltmp10:
0x19b: {  	v5 =	vadd.f32 v18, v5;
	v9 =	vadd.f32 v58, v60;
	(pc) =	sbr.rel @p0 .LBB2_20-.Ltmp10, $4  }
0x19c: {  	v0 =	vadd.f32 v6, v0;
	v2 =	vadd.f32 v7, v2  }
0x19d: {  	v5 =	vadd.f32 v59, v5;
	v63 =	vadd.f32 v3, v9  }
0x19e: {  	v3 =	vadd.f32 v1, v0;
	v2 =	vadd.f32 v4, v2  }
0x19f: {  	v1 =	vadd.f32 v61, v5;
	v0 =	vadd.f32 v62, v63  }
0x1a0: {  	s12 =	smul.u32 $0xD00, s10;
	_ =	sdelay $0x1  }
0x1a1: {  	s12 =	sshra.s32 s12, $0x2  }
0x1a2: {  	s12 =	sadd.s32 $0x618, s12  }
0x1a3: {  	[tilespmem:s23], [sflag:$0x8] =	stream.indirect.gather [hbm4b:s3+s8], $0x40, s12, s8, $0xb8;
	[tilespmem:$0x15000] =	vst v63  }
.Ltmp11:
0x1a4: {  	_ = 	snop;
	(pc) =	sbr.rel .LBB2_2-.Ltmp11, $4  }
0x1a5: {  	[tilespmem:s11+$0x130C0] =	vst v3  }
0x1a6: {  	[tilespmem:s11+$0x130D0] =	vst v2  }
0x1a7: {  	[tilespmem:s11+$0x130E0] =	vst v1  }
0x1a8: {  	s10 =	sadd.s32 $0x1, s10;
	[tilespmem:s11+$0x130F0] =	vst v0  }
.LBB2_21:
0x1a9: {  	_ =	sfence.sel $0x180000  }
0x1aa: {  	[bflag:$0x0] =	sbarrier.arrive $0xFFFF  }
0x1ab: {  	_ =	strace $0x90000047  }
0x1ac: {  	s0 =	stileid.u32;
	[bflag:$0x2] =	sbarrier.arrive $0xFFFF  }
0x1ad: {  	p0 =	sne.s32 s0, $0x0;
	s0 =	rddreg [dreg:$0x2]  }
0x1ae: {  	s0 =	sadd.s32 @!p0 $0x100000, s0  }
0x1af: {  	[sflag:s0] =	ssyncadd.tile.s32 @!p0 $0x1;
	_ =	shalt  }
.Lfunc_end2:
_tile_overlayer_lowered:
.L_overlay_start_2:
0x1b0: {  	(tag) =	ssettag $0x2  }
0x1b1: {  	s0 =	rddreg [dreg:$0x0];
	s2 =	stileid.u32  }
0x1b2: {  	s1 =	rddreg [dreg:$0x1];
	p0 =	sne.s32 s2, $0x0  }
0x1b3: {  	s3 =	rddreg [dreg:$0x2];
	[bflag:$0x3] =	sbarrier.arrive $0xFFFF;
	s2 =	simm.s32 @!p0 $0x1C09  }
0x1b4: {  	[timem:s3], [sflag:s2] =	dma.local @!p0 [hbm:s0], s1  }
0x1b5: {  	s0 =	simm.s32 @!p0 $0x9  }
0x1b6: {  	_ =	swait.ge @!p0 [sflag:s0], s1  }
0x1b7: {  	s1 =	ssub.s32 @!p0 $0x0, s1;
	[sflag:s0] =	ssyncset.done @!p0 $0x0  }
0x1b8: {  	[sflag:s0] =	ssyncadd.s32 @!p0 s1  }
0x1b9: {  	[bflag:$0x3] =	sbarrier.arrive $0xFFFF  }
0x1ba: {  	_ =	shalt  }

</sc_bundles>
